<compile_context>
chip_gen: v7x
topology: tpu7x:2x2x1
jax: 0.10.2.dev20260603
libtpu: 0.0.44.dev20260713+nightly
codegen_flags: <defaults>
</compile_context>

<pallas_src>
import functools

import jax
import jax.numpy as jnp
from jax import lax
from jax.experimental import pallas as pl
from jax.experimental.pallas import tpu as pltpu
from jax.experimental.pallas import tpu_sc as plsc

_L = 16
_D = 256


def _compute_rows(y_ref, c_ref, w_ref, y_v, c_v, rows_v):
    for i in range(3):
        pltpu.sync_copy(y_ref.at[1 + i], y_v.at[pl.ds(i * _D, _D)])
    pltpu.sync_copy(c_ref, c_v.at[pl.ds(0, 21)])
    cv = c_v[pl.ds(16, _L)]
    c17 = jnp.full((_L,), cv[1], jnp.float32)
    c18 = jnp.full((_L,), cv[2], jnp.float32)
    c19 = jnp.full((_L,), cv[3], jnp.float32)
    row0 = c19 * c17
    row1 = c18 / c19
    for j in range(_D // _L):
        o = j * _L
        rows_v[pl.ds(o, _L)] = row0
        rows_v[pl.ds(_D + o, _L)] = row1
        rows_v[pl.ds(2 * _D + o, _L)] = (
            y_v[pl.ds(2 * _D + o, _L)]
            + y_v[pl.ds(o, _L)]
            + 2.0 * y_v[pl.ds(_D + o, _L)]
        )
    for i in range(3):
        pltpu.sync_copy(rows_v.at[pl.ds(i * _D, _D)], w_ref.at[i])


def _update_body(y_ref, c_ref, w_ref, y_v, c_v, rows_v):
    cid = lax.axis_index("c")
    sid = lax.axis_index("s")

    @pl.when(jnp.logical_and(cid == 0, sid == 0))
    def _():
        _compute_rows(y_ref, c_ref, w_ref, y_v, c_v, rows_v)


@functools.lru_cache(maxsize=None)
def _make_update():
    return pl.kernel(
        _update_body,
        out_type=(),
        mesh=plsc.VectorSubcoreMesh(
            core_axis_name="c", subcore_axis_name="s",
            num_cores=2, num_subcores=16,
        ),
        scratch_types=[
            pltpu.VMEM((3 * _D,), jnp.float32),
            pltpu.VMEM((32,), jnp.float32),
            pltpu.VMEM((3 * _D,), jnp.float32),
        ],
    )


def kernel(y, w, c, t):
    del t
    w_ref = jax.new_ref(w)
    _make_update()(y, c, w_ref)
    return jax.freeze(w_ref)

# --- scband reference (transcript-rebuilt; emitter-appended) ---
"""Pipeline reference for scband-assignment-rule-12833362280833 (READ-ONLY COPY).

The authoritative reference and input builder live on the scoring server;
editing this copy changes nothing except your own understanding.
"""

import jax, jax.numpy as jnp
import numpy as np

def setup_inputs(seed: int = 0) -> dict:
    key = jax.random.key(seed)
    k1, k2, k3, k4 = jax.random.split(key, 4)
    y = jax.random.normal(k1, (65536, 256), dtype=jnp.float32)
    w = jax.random.normal(k2, (65536, 256), dtype=jnp.float32)
    c = jax.random.uniform(k3, (21,), dtype=jnp.float32) + 0.01
    t = jax.random.uniform(k4, (1,), dtype=jnp.float32)
    return {"y": y, "w": w, "c": c, "t": t}

def reference(y, w, c, t):
    # Faithful translation of AssignmentRule.__call__: scatter-overwrite rows of w.
    w = w.at[0].set(c[19] * c[17])
    w = w.at[1].set(c[18] / c[19])
    w = w.at[2].set(y[3] / 1.0 + y[1] / 1.0 + 2 * (y[2] / 1.0))
    return w

if __name__ == "__main__":
    import jax
    _d = setup_inputs()
    print(jax.jit(kernel)(*tuple(_d.values())))

</pallas_src>

<mosaic_0001>
#map = affine_map<(d0, d1) -> (0, 0)>
#map1 = affine_map<(d0, d1) -> (0)>
module attributes {stable_mosaic.version = 14 : i64} {
  func.func @new_body(%arg0: i32, %arg1: i32, %arg2: memref<65536x256xf32, #tpu.memory_space<hbm>>, %arg3: memref<21xf32, #tpu.memory_space<hbm>>, %arg4: memref<65536x256xf32, #tpu.memory_space<hbm>>, %arg5: memref<65536x256xf32, #tpu.memory_space<hbm>>, %arg6: memref<768xf32, #tpu.memory_space<vmem>>, %arg7: memref<32xf32, #tpu.memory_space<vmem>>, %arg8: memref<768xf32, #tpu.memory_space<vmem>>) attributes {dimension_semantics = [#tpu.dimension_semantics<core_parallel>, #tpu.dimension_semantics<subcore_parallel>], iteration_bounds = array<i64: 2, 16>, scalar_prefetch = 0 : i64, scratch_operands = 3 : i64, tpu.core_type = #tpu.core_type<sc_vector_subcore>, window_params = [{transform_indices = #map}, {transform_indices = #map1}, {transform_indices = #map}, {transform_indices = #map}]} {
    %eq3A = arith.constant 0 : i32
    %eq3A_0 = arith.cmpi eq, %arg0, %eq3A : i32
    %eq3A_1 = arith.constant 0 : i32
    %eq3A_2 = arith.cmpi eq, %arg1, %eq3A_1 : i32
    %and3A = arith.andi %eq3A_0, %eq3A_2 : i1
    %convert_element_type3A = arith.extui %and3A : i1 to i32
    %cond3A = arith.constant 0 : i32
    %cond3A_3 = arith.cmpi ne, %convert_element_type3A, %cond3A : i32
    scf.if %cond3A_3 {
      %run_scoped3A = arith.constant 1 : i32
      "tpu.region"() ({
        %run_scoped3A_431 = tpu.sem_alloc : memref<!tpu.dma_semaphore, #tpu.memory_space<semaphore_mem>>
        %dma_start3A = arith.constant 0 : i32
        %dma_start3A_432 = tpu.memref_slice %arg6[%dma_start3A] : memref<768xf32, #tpu.memory_space<vmem>> -> memref<256xf32, #tpu.memory_space<vmem>>
        %dma_start3A_433 = arith.constant 0 : i32
        %dma_start3A_434 = tpu.memref_slice %arg2[%run_scoped3A, %dma_start3A_433] : memref<65536x256xf32, #tpu.memory_space<hbm>> -> memref<1x256xf32, #tpu.memory_space<hbm>>
        %dma_start3A_435 = tpu.memref_squeeze %dma_start3A_434 : memref<1x256xf32, #tpu.memory_space<hbm>> -> memref<256xf32, #tpu.memory_space<hbm>>
        %dma_start3A_436 = arith.constant 0 : i32
        %dma_start3A_437 = tpu.memref_slice %arg6[%dma_start3A_436] : memref<768xf32, #tpu.memory_space<vmem>> -> memref<256xf32, #tpu.memory_space<vmem>>
        %dma_start3A_438 = arith.constant 0 : i32
        %dma_start3A_439 = tpu.memref_slice %arg2[%run_scoped3A, %dma_start3A_438] : memref<65536x256xf32, #tpu.memory_space<hbm>> -> memref<1x256xf32, #tpu.memory_space<hbm>>
        %dma_start3A_440 = tpu.memref_squeeze %dma_start3A_439 : memref<1x256xf32, #tpu.memory_space<hbm>> -> memref<256xf32, #tpu.memory_space<hbm>>
        tpu.enqueue_dma source(%dma_start3A_440 : memref<256xf32, #tpu.memory_space<hbm>>) target(%dma_start3A_437 : memref<256xf32, #tpu.memory_space<vmem>>) target_semaphore(%run_scoped3A_431 : memref<!tpu.dma_semaphore, #tpu.memory_space<semaphore_mem>>)
        %dma_wait3A = arith.constant 0 : i32
        %dma_wait3A_441 = tpu.memref_slice %arg6[%dma_wait3A] : memref<768xf32, #tpu.memory_space<vmem>> -> memref<256xf32, #tpu.memory_space<vmem>>
        %dma_wait3A_442 = arith.constant 0 : i32
        %dma_wait3A_443 = tpu.memref_slice %arg2[%run_scoped3A, %dma_wait3A_442] : memref<65536x256xf32, #tpu.memory_space<hbm>> -> memref<1x256xf32, #tpu.memory_space<hbm>>
        %dma_wait3A_444 = tpu.memref_squeeze %dma_wait3A_443 : memref<1x256xf32, #tpu.memory_space<hbm>> -> memref<256xf32, #tpu.memory_space<hbm>>
        %dma_wait3A_445 = arith.constant 0 : i32
        %dma_wait3A_446 = tpu.memref_slice %arg6[%dma_wait3A_445] : memref<768xf32, #tpu.memory_space<vmem>> -> memref<256xf32, #tpu.memory_space<vmem>>
        %dma_wait3A_447 = arith.constant 0 : i32
        %dma_wait3A_448 = tpu.memref_slice %arg2[%run_scoped3A, %dma_wait3A_447] : memref<65536x256xf32, #tpu.memory_space<hbm>> -> memref<1x256xf32, #tpu.memory_space<hbm>>
        %dma_wait3A_449 = tpu.memref_squeeze %dma_wait3A_448 : memref<1x256xf32, #tpu.memory_space<hbm>> -> memref<256xf32, #tpu.memory_space<hbm>>
        tpu.wait_dma2 semaphore(%run_scoped3A_431 : memref<!tpu.dma_semaphore, #tpu.memory_space<semaphore_mem>>) src(%dma_wait3A_449 : memref<256xf32, #tpu.memory_space<hbm>>) dst(%dma_wait3A_446 : memref<256xf32, #tpu.memory_space<vmem>>)
        tpu.yield
      }) : () -> ()
      %run_scoped3A_4 = arith.constant 2 : i32
      "tpu.region"() ({
        %run_scoped3A_431 = tpu.sem_alloc : memref<!tpu.dma_semaphore, #tpu.memory_space<semaphore_mem>>
        %dma_start3A = arith.constant 256 : i32
        %dma_start3A_432 = tpu.memref_slice %arg6[%dma_start3A] : memref<768xf32, #tpu.memory_space<vmem>> -> memref<256xf32, #tpu.memory_space<vmem>>
        %dma_start3A_433 = arith.constant 0 : i32
        %dma_start3A_434 = tpu.memref_slice %arg2[%run_scoped3A_4, %dma_start3A_433] : memref<65536x256xf32, #tpu.memory_space<hbm>> -> memref<1x256xf32, #tpu.memory_space<hbm>>
        %dma_start3A_435 = tpu.memref_squeeze %dma_start3A_434 : memref<1x256xf32, #tpu.memory_space<hbm>> -> memref<256xf32, #tpu.memory_space<hbm>>
        %dma_start3A_436 = arith.constant 256 : i32
        %dma_start3A_437 = tpu.memref_slice %arg6[%dma_start3A_436] : memref<768xf32, #tpu.memory_space<vmem>> -> memref<256xf32, #tpu.memory_space<vmem>>
        %dma_start3A_438 = arith.constant 0 : i32
        %dma_start3A_439 = tpu.memref_slice %arg2[%run_scoped3A_4, %dma_start3A_438] : memref<65536x256xf32, #tpu.memory_space<hbm>> -> memref<1x256xf32, #tpu.memory_space<hbm>>
        %dma_start3A_440 = tpu.memref_squeeze %dma_start3A_439 : memref<1x256xf32, #tpu.memory_space<hbm>> -> memref<256xf32, #tpu.memory_space<hbm>>
        tpu.enqueue_dma source(%dma_start3A_440 : memref<256xf32, #tpu.memory_space<hbm>>) target(%dma_start3A_437 : memref<256xf32, #tpu.memory_space<vmem>>) target_semaphore(%run_scoped3A_431 : memref<!tpu.dma_semaphore, #tpu.memory_space<semaphore_mem>>)
        %dma_wait3A = arith.constant 256 : i32
        %dma_wait3A_441 = tpu.memref_slice %arg6[%dma_wait3A] : memref<768xf32, #tpu.memory_space<vmem>> -> memref<256xf32, #tpu.memory_space<vmem>>
        %dma_wait3A_442 = arith.constant 0 : i32
        %dma_wait3A_443 = tpu.memref_slice %arg2[%run_scoped3A_4, %dma_wait3A_442] : memref<65536x256xf32, #tpu.memory_space<hbm>> -> memref<1x256xf32, #tpu.memory_space<hbm>>
        %dma_wait3A_444 = tpu.memref_squeeze %dma_wait3A_443 : memref<1x256xf32, #tpu.memory_space<hbm>> -> memref<256xf32, #tpu.memory_space<hbm>>
        %dma_wait3A_445 = arith.constant 256 : i32
        %dma_wait3A_446 = tpu.memref_slice %arg6[%dma_wait3A_445] : memref<768xf32, #tpu.memory_space<vmem>> -> memref<256xf32, #tpu.memory_space<vmem>>
        %dma_wait3A_447 = arith.constant 0 : i32
        %dma_wait3A_448 = tpu.memref_slice %arg2[%run_scoped3A_4, %dma_wait3A_447] : memref<65536x256xf32, #tpu.memory_space<hbm>> -> memref<1x256xf32, #tpu.memory_space<hbm>>
        %dma_wait3A_449 = tpu.memref_squeeze %dma_wait3A_448 : memref<1x256xf32, #tpu.memory_space<hbm>> -> memref<256xf32, #tpu.memory_space<hbm>>
        tpu.wait_dma2 semaphore(%run_scoped3A_431 : memref<!tpu.dma_semaphore, #tpu.memory_space<semaphore_mem>>) src(%dma_wait3A_449 : memref<256xf32, #tpu.memory_space<hbm>>) dst(%dma_wait3A_446 : memref<256xf32, #tpu.memory_space<vmem>>)
        tpu.yield
      }) : () -> ()
      %run_scoped3A_5 = arith.constant 3 : i32
      "tpu.region"() ({
        %run_scoped3A_431 = tpu.sem_alloc : memref<!tpu.dma_semaphore, #tpu.memory_space<semaphore_mem>>
        %dma_start3A = arith.constant 512 : i32
        %dma_start3A_432 = tpu.memref_slice %arg6[%dma_start3A] : memref<768xf32, #tpu.memory_space<vmem>> -> memref<256xf32, #tpu.memory_space<vmem>>
        %dma_start3A_433 = arith.constant 0 : i32
        %dma_start3A_434 = tpu.memref_slice %arg2[%run_scoped3A_5, %dma_start3A_433] : memref<65536x256xf32, #tpu.memory_space<hbm>> -> memref<1x256xf32, #tpu.memory_space<hbm>>
        %dma_start3A_435 = tpu.memref_squeeze %dma_start3A_434 : memref<1x256xf32, #tpu.memory_space<hbm>> -> memref<256xf32, #tpu.memory_space<hbm>>
        %dma_start3A_436 = arith.constant 512 : i32
        %dma_start3A_437 = tpu.memref_slice %arg6[%dma_start3A_436] : memref<768xf32, #tpu.memory_space<vmem>> -> memref<256xf32, #tpu.memory_space<vmem>>
        %dma_start3A_438 = arith.constant 0 : i32
        %dma_start3A_439 = tpu.memref_slice %arg2[%run_scoped3A_5, %dma_start3A_438] : memref<65536x256xf32, #tpu.memory_space<hbm>> -> memref<1x256xf32, #tpu.memory_space<hbm>>
        %dma_start3A_440 = tpu.memref_squeeze %dma_start3A_439 : memref<1x256xf32, #tpu.memory_space<hbm>> -> memref<256xf32, #tpu.memory_space<hbm>>
        tpu.enqueue_dma source(%dma_start3A_440 : memref<256xf32, #tpu.memory_space<hbm>>) target(%dma_start3A_437 : memref<256xf32, #tpu.memory_space<vmem>>) target_semaphore(%run_scoped3A_431 : memref<!tpu.dma_semaphore, #tpu.memory_space<semaphore_mem>>)
        %dma_wait3A = arith.constant 512 : i32
        %dma_wait3A_441 = tpu.memref_slice %arg6[%dma_wait3A] : memref<768xf32, #tpu.memory_space<vmem>> -> memref<256xf32, #tpu.memory_space<vmem>>
        %dma_wait3A_442 = arith.constant 0 : i32
        %dma_wait3A_443 = tpu.memref_slice %arg2[%run_scoped3A_5, %dma_wait3A_442] : memref<65536x256xf32, #tpu.memory_space<hbm>> -> memref<1x256xf32, #tpu.memory_space<hbm>>
        %dma_wait3A_444 = tpu.memref_squeeze %dma_wait3A_443 : memref<1x256xf32, #tpu.memory_space<hbm>> -> memref<256xf32, #tpu.memory_space<hbm>>
        %dma_wait3A_445 = arith.constant 512 : i32
        %dma_wait3A_446 = tpu.memref_slice %arg6[%dma_wait3A_445] : memref<768xf32, #tpu.memory_space<vmem>> -> memref<256xf32, #tpu.memory_space<vmem>>
        %dma_wait3A_447 = arith.constant 0 : i32
        %dma_wait3A_448 = tpu.memref_slice %arg2[%run_scoped3A_5, %dma_wait3A_447] : memref<65536x256xf32, #tpu.memory_space<hbm>> -> memref<1x256xf32, #tpu.memory_space<hbm>>
        %dma_wait3A_449 = tpu.memref_squeeze %dma_wait3A_448 : memref<1x256xf32, #tpu.memory_space<hbm>> -> memref<256xf32, #tpu.memory_space<hbm>>
        tpu.wait_dma2 semaphore(%run_scoped3A_431 : memref<!tpu.dma_semaphore, #tpu.memory_space<semaphore_mem>>) src(%dma_wait3A_449 : memref<256xf32, #tpu.memory_space<hbm>>) dst(%dma_wait3A_446 : memref<256xf32, #tpu.memory_space<vmem>>)
        tpu.yield
      }) : () -> ()
      "tpu.region"() ({
        %run_scoped3A_431 = tpu.sem_alloc : memref<!tpu.dma_semaphore, #tpu.memory_space<semaphore_mem>>
        %dma_start3A = arith.constant 0 : i32
        %dma_start3A_432 = tpu.memref_slice %arg7[%dma_start3A] : memref<32xf32, #tpu.memory_space<vmem>> -> memref<21xf32, #tpu.memory_space<vmem>>
        %dma_start3A_433 = arith.constant 0 : i32
        %dma_start3A_434 = tpu.memref_slice %arg7[%dma_start3A_433] : memref<32xf32, #tpu.memory_space<vmem>> -> memref<21xf32, #tpu.memory_space<vmem>>
        tpu.enqueue_dma source(%arg3 : memref<21xf32, #tpu.memory_space<hbm>>) target(%dma_start3A_434 : memref<21xf32, #tpu.memory_space<vmem>>) target_semaphore(%run_scoped3A_431 : memref<!tpu.dma_semaphore, #tpu.memory_space<semaphore_mem>>)
        %dma_wait3A = arith.constant 0 : i32
        %dma_wait3A_435 = tpu.memref_slice %arg7[%dma_wait3A] : memref<32xf32, #tpu.memory_space<vmem>> -> memref<21xf32, #tpu.memory_space<vmem>>
        %dma_wait3A_436 = arith.constant 0 : i32
        %dma_wait3A_437 = tpu.memref_slice %arg7[%dma_wait3A_436] : memref<32xf32, #tpu.memory_space<vmem>> -> memref<21xf32, #tpu.memory_space<vmem>>
        tpu.wait_dma2 semaphore(%run_scoped3A_431 : memref<!tpu.dma_semaphore, #tpu.memory_space<semaphore_mem>>) src(%arg3 : memref<21xf32, #tpu.memory_space<hbm>>) dst(%dma_wait3A_437 : memref<21xf32, #tpu.memory_space<vmem>>)
        tpu.yield
      }) : () -> ()
      %get3A = arith.constant 16 : index
      %get3A_6 = tpu.vector_load %arg7[%get3A] {strides = array<i32>} : memref<32xf32, #tpu.memory_space<vmem>>, vector<16xf32>,
      %get3A_7 = vector.shape_cast %get3A_6 : vector<16xf32> to vector<16xf32>
      %slice3A = vector.extract_strided_slice %get3A_7 {offsets = [1], sizes = [1], strides = [1]} : vector<16xf32> to vector<1xf32>
      %squeeze3A = vector.extract %slice3A[0] : f32 from vector<1xf32>
      %broadcast_in_dim3A = vector.broadcast %squeeze3A : f32 to vector<16xf32>
      %slice3A_8 = vector.extract_strided_slice %get3A_7 {offsets = [2], sizes = [1], strides = [1]} : vector<16xf32> to vector<1xf32>
      %squeeze3A_9 = vector.extract %slice3A_8[0] : f32 from vector<1xf32>
      %broadcast_in_dim3A_10 = vector.broadcast %squeeze3A_9 : f32 to vector<16xf32>
      %slice3A_11 = vector.extract_strided_slice %get3A_7 {offsets = [3], sizes = [1], strides = [1]} : vector<16xf32> to vector<1xf32>
      %squeeze3A_12 = vector.extract %slice3A_11[0] : f32 from vector<1xf32>
      %broadcast_in_dim3A_13 = vector.broadcast %squeeze3A_12 : f32 to vector<16xf32>
      %mul3A = arith.mulf %broadcast_in_dim3A_13, %broadcast_in_dim3A : vector<16xf32>
      %div3A = arith.divf %broadcast_in_dim3A_10, %broadcast_in_dim3A_13 : vector<16xf32>
      %swap3A = arith.constant 0 : index
      %swap3A_14 = tpu.vector_load %arg8[%swap3A] {strides = array<i32>} : memref<768xf32, #tpu.memory_space<vmem>>, vector<16xf32>,
      %swap3A_15 = vector.shape_cast %swap3A_14 : vector<16xf32> to vector<16xf32>
      %swap3A_16 = vector.shape_cast %mul3A : vector<16xf32> to vector<16xf32>
      tpu.vector_store %arg8[%swap3A], %swap3A_16 {strides = array<i32>} : memref<768xf32, #tpu.memory_space<vmem>>, vector<16xf32>,
      %swap3A_17 = arith.constant 256 : index
      %swap3A_18 = tpu.vector_load %arg8[%swap3A_17] {strides = array<i32>} : memref<768xf32, #tpu.memory_space<vmem>>, vector<16xf32>,
      %swap3A_19 = vector.shape_cast %swap3A_18 : vector<16xf32> to vector<16xf32>
      %swap3A_20 = vector.shape_cast %div3A : vector<16xf32> to vector<16xf32>
      tpu.vector_store %arg8[%swap3A_17], %swap3A_20 {strides = array<i32>} : memref<768xf32, #tpu.memory_space<vmem>>, vector<16xf32>,
      %get3A_21 = arith.constant 512 : index
      %get3A_22 = tpu.vector_load %arg6[%get3A_21] {strides = array<i32>} : memref<768xf32, #tpu.memory_space<vmem>>, vector<16xf32>,
      %get3A_23 = vector.shape_cast %get3A_22 : vector<16xf32> to vector<16xf32>
      %get3A_24 = arith.constant 0 : index
      %get3A_25 = tpu.vector_load %arg6[%get3A_24] {strides = array<i32>} : memref<768xf32, #tpu.memory_space<vmem>>, vector<16xf32>,
      %get3A_26 = vector.shape_cast %get3A_25 : vector<16xf32> to vector<16xf32>
      %add3A = arith.addf %get3A_23, %get3A_26 : vector<16xf32>
      %get3A_27 = arith.constant 256 : index
      %get3A_28 = tpu.vector_load %arg6[%get3A_27] {strides = array<i32>} : memref<768xf32, #tpu.memory_space<vmem>>, vector<16xf32>,
      %get3A_29 = vector.shape_cast %get3A_28 : vector<16xf32> to vector<16xf32>
      %mul3A_30 = arith.constant 2.000000e+00 : f32
      %mul3A_31 = vector.broadcast %mul3A_30 : f32 to vector<16xf32>
      %mul3A_32 = arith.mulf %mul3A_31, %get3A_29 : vector<16xf32>
      %add3A_33 = arith.addf %add3A, %mul3A_32 : vector<16xf32>
      %swap3A_34 = arith.constant 512 : index
      %swap3A_35 = tpu.vector_load %arg8[%swap3A_34] {strides = array<i32>} : memref<768xf32, #tpu.memory_space<vmem>>, vector<16xf32>,
      %swap3A_36 = vector.shape_cast %swap3A_35 : vector<16xf32> to vector<16xf32>
      %swap3A_37 = vector.shape_cast %add3A_33 : vector<16xf32> to vector<16xf32>
      tpu.vector_store %arg8[%swap3A_34], %swap3A_37 {strides = array<i32>} : memref<768xf32, #tpu.memory_space<vmem>>, vector<16xf32>,
      %swap3A_38 = arith.constant 16 : index
      %swap3A_39 = tpu.vector_load %arg8[%swap3A_38] {strides = array<i32>} : memref<768xf32, #tpu.memory_space<vmem>>, vector<16xf32>,
      %swap3A_40 = vector.shape_cast %swap3A_39 : vector<16xf32> to vector<16xf32>
      %swap3A_41 = vector.shape_cast %mul3A : vector<16xf32> to vector<16xf32>
      tpu.vector_store %arg8[%swap3A_38], %swap3A_41 {strides = array<i32>} : memref<768xf32, #tpu.memory_space<vmem>>, vector<16xf32>,
      %swap3A_42 = arith.constant 272 : index
      %swap3A_43 = tpu.vector_load %arg8[%swap3A_42] {strides = array<i32>} : memref<768xf32, #tpu.memory_space<vmem>>, vector<16xf32>,
      %swap3A_44 = vector.shape_cast %swap3A_43 : vector<16xf32> to vector<16xf32>
      %swap3A_45 = vector.shape_cast %div3A : vector<16xf32> to vector<16xf32>
      tpu.vector_store %arg8[%swap3A_42], %swap3A_45 {strides = array<i32>} : memref<768xf32, #tpu.memory_space<vmem>>, vector<16xf32>,
      %get3A_46 = arith.constant 528 : index
      %get3A_47 = tpu.vector_load %arg6[%get3A_46] {strides = array<i32>} : memref<768xf32, #tpu.memory_space<vmem>>, vector<16xf32>,
      %get3A_48 = vector.shape_cast %get3A_47 : vector<16xf32> to vector<16xf32>
      %get3A_49 = arith.constant 16 : index
      %get3A_50 = tpu.vector_load %arg6[%get3A_49] {strides = array<i32>} : memref<768xf32, #tpu.memory_space<vmem>>, vector<16xf32>,
      %get3A_51 = vector.shape_cast %get3A_50 : vector<16xf32> to vector<16xf32>
      %add3A_52 = arith.addf %get3A_48, %get3A_51 : vector<16xf32>
      %get3A_53 = arith.constant 272 : index
      %get3A_54 = tpu.vector_load %arg6[%get3A_53] {strides = array<i32>} : memref<768xf32, #tpu.memory_space<vmem>>, vector<16xf32>,
      %get3A_55 = vector.shape_cast %get3A_54 : vector<16xf32> to vector<16xf32>
      %mul3A_56 = arith.constant 2.000000e+00 : f32
      %mul3A_57 = vector.broadcast %mul3A_56 : f32 to vector<16xf32>
      %mul3A_58 = arith.mulf %mul3A_57, %get3A_55 : vector<16xf32>
      %add3A_59 = arith.addf %add3A_52, %mul3A_58 : vector<16xf32>
      %swap3A_60 = arith.constant 528 : index
      %swap3A_61 = tpu.vector_load %arg8[%swap3A_60] {strides = array<i32>} : memref<768xf32, #tpu.memory_space<vmem>>, vector<16xf32>,
      %swap3A_62 = vector.shape_cast %swap3A_61 : vector<16xf32> to vector<16xf32>
      %swap3A_63 = vector.shape_cast %add3A_59 : vector<16xf32> to vector<16xf32>
      tpu.vector_store %arg8[%swap3A_60], %swap3A_63 {strides = array<i32>} : memref<768xf32, #tpu.memory_space<vmem>>, vector<16xf32>,
      %swap3A_64 = arith.constant 32 : index
      %swap3A_65 = tpu.vector_load %arg8[%swap3A_64] {strides = array<i32>} : memref<768xf32, #tpu.memory_space<vmem>>, vector<16xf32>,
      %swap3A_66 = vector.shape_cast %swap3A_65 : vector<16xf32> to vector<16xf32>
      %swap3A_67 = vector.shape_cast %mul3A : vector<16xf32> to vector<16xf32>
      tpu.vector_store %arg8[%swap3A_64], %swap3A_67 {strides = array<i32>} : memref<768xf32, #tpu.memory_space<vmem>>, vector<16xf32>,
      %swap3A_68 = arith.constant 288 : index
      %swap3A_69 = tpu.vector_load %arg8[%swap3A_68] {strides = array<i32>} : memref<768xf32, #tpu.memory_space<vmem>>, vector<16xf32>,
      %swap3A_70 = vector.shape_cast %swap3A_69 : vector<16xf32> to vector<16xf32>
      %swap3A_71 = vector.shape_cast %div3A : vector<16xf32> to vector<16xf32>
      tpu.vector_store %arg8[%swap3A_68], %swap3A_71 {strides = array<i32>} : memref<768xf32, #tpu.memory_space<vmem>>, vector<16xf32>,
      %get3A_72 = arith.constant 544 : index
      %get3A_73 = tpu.vector_load %arg6[%get3A_72] {strides = array<i32>} : memref<768xf32, #tpu.memory_space<vmem>>, vector<16xf32>,
      %get3A_74 = vector.shape_cast %get3A_73 : vector<16xf32> to vector<16xf32>
      %get3A_75 = arith.constant 32 : index
      %get3A_76 = tpu.vector_load %arg6[%get3A_75] {strides = array<i32>} : memref<768xf32, #tpu.memory_space<vmem>>, vector<16xf32>,
      %get3A_77 = vector.shape_cast %get3A_76 : vector<16xf32> to vector<16xf32>
      %add3A_78 = arith.addf %get3A_74, %get3A_77 : vector<16xf32>
      %get3A_79 = arith.constant 288 : index
      %get3A_80 = tpu.vector_load %arg6[%get3A_79] {strides = array<i32>} : memref<768xf32, #tpu.memory_space<vmem>>, vector<16xf32>,
      %get3A_81 = vector.shape_cast %get3A_80 : vector<16xf32> to vector<16xf32>
      %mul3A_82 = arith.constant 2.000000e+00 : f32
      %mul3A_83 = vector.broadcast %mul3A_82 : f32 to vector<16xf32>
      %mul3A_84 = arith.mulf %mul3A_83, %get3A_81 : vector<16xf32>
      %add3A_85 = arith.addf %add3A_78, %mul3A_84 : vector<16xf32>
      %swap3A_86 = arith.constant 544 : index
      %swap3A_87 = tpu.vector_load %arg8[%swap3A_86] {strides = array<i32>} : memref<768xf32, #tpu.memory_space<vmem>>, vector<16xf32>,
      %swap3A_88 = vector.shape_cast %swap3A_87 : vector<16xf32> to vector<16xf32>
      %swap3A_89 = vector.shape_cast %add3A_85 : vector<16xf32> to vector<16xf32>
      tpu.vector_store %arg8[%swap3A_86], %swap3A_89 {strides = array<i32>} : memref<768xf32, #tpu.memory_space<vmem>>, vector<16xf32>,
      %swap3A_90 = arith.constant 48 : index
      %swap3A_91 = tpu.vector_load %arg8[%swap3A_90] {strides = array<i32>} : memref<768xf32, #tpu.memory_space<vmem>>, vector<16xf32>,
      %swap3A_92 = vector.shape_cast %swap3A_91 : vector<16xf32> to vector<16xf32>
      %swap3A_93 = vector.shape_cast %mul3A : vector<16xf32> to vector<16xf32>
      tpu.vector_store %arg8[%swap3A_90], %swap3A_93 {strides = array<i32>} : memref<768xf32, #tpu.memory_space<vmem>>, vector<16xf32>,
      %swap3A_94 = arith.constant 304 : index
      %swap3A_95 = tpu.vector_load %arg8[%swap3A_94] {strides = array<i32>} : memref<768xf32, #tpu.memory_space<vmem>>, vector<16xf32>,
      %swap3A_96 = vector.shape_cast %swap3A_95 : vector<16xf32> to vector<16xf32>
      %swap3A_97 = vector.shape_cast %div3A : vector<16xf32> to vector<16xf32>
      tpu.vector_store %arg8[%swap3A_94], %swap3A_97 {strides = array<i32>} : memref<768xf32, #tpu.memory_space<vmem>>, vector<16xf32>,
      %get3A_98 = arith.constant 560 : index
      %get3A_99 = tpu.vector_load %arg6[%get3A_98] {strides = array<i32>} : memref<768xf32, #tpu.memory_space<vmem>>, vector<16xf32>,
      %get3A_100 = vector.shape_cast %get3A_99 : vector<16xf32> to vector<16xf32>
      %get3A_101 = arith.constant 48 : index
      %get3A_102 = tpu.vector_load %arg6[%get3A_101] {strides = array<i32>} : memref<768xf32, #tpu.memory_space<vmem>>, vector<16xf32>,
      %get3A_103 = vector.shape_cast %get3A_102 : vector<16xf32> to vector<16xf32>
      %add3A_104 = arith.addf %get3A_100, %get3A_103 : vector<16xf32>
      %get3A_105 = arith.constant 304 : index
      %get3A_106 = tpu.vector_load %arg6[%get3A_105] {strides = array<i32>} : memref<768xf32, #tpu.memory_space<vmem>>, vector<16xf32>,
      %get3A_107 = vector.shape_cast %get3A_106 : vector<16xf32> to vector<16xf32>
      %mul3A_108 = arith.constant 2.000000e+00 : f32
      %mul3A_109 = vector.broadcast %mul3A_108 : f32 to vector<16xf32>
      %mul3A_110 = arith.mulf %mul3A_109, %get3A_107 : vector<16xf32>
      %add3A_111 = arith.addf %add3A_104, %mul3A_110 : vector<16xf32>
      %swap3A_112 = arith.constant 560 : index
      %swap3A_113 = tpu.vector_load %arg8[%swap3A_112] {strides = array<i32>} : memref<768xf32, #tpu.memory_space<vmem>>, vector<16xf32>,
      %swap3A_114 = vector.shape_cast %swap3A_113 : vector<16xf32> to vector<16xf32>
      %swap3A_115 = vector.shape_cast %add3A_111 : vector<16xf32> to vector<16xf32>
      tpu.vector_store %arg8[%swap3A_112], %swap3A_115 {strides = array<i32>} : memref<768xf32, #tpu.memory_space<vmem>>, vector<16xf32>,
      %swap3A_116 = arith.constant 64 : index
      %swap3A_117 = tpu.vector_load %arg8[%swap3A_116] {strides = array<i32>} : memref<768xf32, #tpu.memory_space<vmem>>, vector<16xf32>,
      %swap3A_118 = vector.shape_cast %swap3A_117 : vector<16xf32> to vector<16xf32>
      %swap3A_119 = vector.shape_cast %mul3A : vector<16xf32> to vector<16xf32>
      tpu.vector_store %arg8[%swap3A_116], %swap3A_119 {strides = array<i32>} : memref<768xf32, #tpu.memory_space<vmem>>, vector<16xf32>,
      %swap3A_120 = arith.constant 320 : index
      %swap3A_121 = tpu.vector_load %arg8[%swap3A_120] {strides = array<i32>} : memref<768xf32, #tpu.memory_space<vmem>>, vector<16xf32>,
      %swap3A_122 = vector.shape_cast %swap3A_121 : vector<16xf32> to vector<16xf32>
      %swap3A_123 = vector.shape_cast %div3A : vector<16xf32> to vector<16xf32>
      tpu.vector_store %arg8[%swap3A_120], %swap3A_123 {strides = array<i32>} : memref<768xf32, #tpu.memory_space<vmem>>, vector<16xf32>,
      %get3A_124 = arith.constant 576 : index
      %get3A_125 = tpu.vector_load %arg6[%get3A_124] {strides = array<i32>} : memref<768xf32, #tpu.memory_space<vmem>>, vector<16xf32>,
      %get3A_126 = vector.shape_cast %get3A_125 : vector<16xf32> to vector<16xf32>
      %get3A_127 = arith.constant 64 : index
      %get3A_128 = tpu.vector_load %arg6[%get3A_127] {strides = array<i32>} : memref<768xf32, #tpu.memory_space<vmem>>, vector<16xf32>,
      %get3A_129 = vector.shape_cast %get3A_128 : vector<16xf32> to vector<16xf32>
      %add3A_130 = arith.addf %get3A_126, %get3A_129 : vector<16xf32>
      %get3A_131 = arith.constant 320 : index
      %get3A_132 = tpu.vector_load %arg6[%get3A_131] {strides = array<i32>} : memref<768xf32, #tpu.memory_space<vmem>>, vector<16xf32>,
      %get3A_133 = vector.shape_cast %get3A_132 : vector<16xf32> to vector<16xf32>
      %mul3A_134 = arith.constant 2.000000e+00 : f32
      %mul3A_135 = vector.broadcast %mul3A_134 : f32 to vector<16xf32>
      %mul3A_136 = arith.mulf %mul3A_135, %get3A_133 : vector<16xf32>
      %add3A_137 = arith.addf %add3A_130, %mul3A_136 : vector<16xf32>
      %swap3A_138 = arith.constant 576 : index
      %swap3A_139 = tpu.vector_load %arg8[%swap3A_138] {strides = array<i32>} : memref<768xf32, #tpu.memory_space<vmem>>, vector<16xf32>,
      %swap3A_140 = vector.shape_cast %swap3A_139 : vector<16xf32> to vector<16xf32>
      %swap3A_141 = vector.shape_cast %add3A_137 : vector<16xf32> to vector<16xf32>
      tpu.vector_store %arg8[%swap3A_138], %swap3A_141 {strides = array<i32>} : memref<768xf32, #tpu.memory_space<vmem>>, vector<16xf32>,
      %swap3A_142 = arith.constant 80 : index
      %swap3A_143 = tpu.vector_load %arg8[%swap3A_142] {strides = array<i32>} : memref<768xf32, #tpu.memory_space<vmem>>, vector<16xf32>,
      %swap3A_144 = vector.shape_cast %swap3A_143 : vector<16xf32> to vector<16xf32>
      %swap3A_145 = vector.shape_cast %mul3A : vector<16xf32> to vector<16xf32>
      tpu.vector_store %arg8[%swap3A_142], %swap3A_145 {strides = array<i32>} : memref<768xf32, #tpu.memory_space<vmem>>, vector<16xf32>,
      %swap3A_146 = arith.constant 336 : index
      %swap3A_147 = tpu.vector_load %arg8[%swap3A_146] {strides = array<i32>} : memref<768xf32, #tpu.memory_space<vmem>>, vector<16xf32>,
      %swap3A_148 = vector.shape_cast %swap3A_147 : vector<16xf32> to vector<16xf32>
      %swap3A_149 = vector.shape_cast %div3A : vector<16xf32> to vector<16xf32>
      tpu.vector_store %arg8[%swap3A_146], %swap3A_149 {strides = array<i32>} : memref<768xf32, #tpu.memory_space<vmem>>, vector<16xf32>,
      %get3A_150 = arith.constant 592 : index
      %get3A_151 = tpu.vector_load %arg6[%get3A_150] {strides = array<i32>} : memref<768xf32, #tpu.memory_space<vmem>>, vector<16xf32>,
      %get3A_152 = vector.shape_cast %get3A_151 : vector<16xf32> to vector<16xf32>
      %get3A_153 = arith.constant 80 : index
      %get3A_154 = tpu.vector_load %arg6[%get3A_153] {strides = array<i32>} : memref<768xf32, #tpu.memory_space<vmem>>, vector<16xf32>,
      %get3A_155 = vector.shape_cast %get3A_154 : vector<16xf32> to vector<16xf32>
      %add3A_156 = arith.addf %get3A_152, %get3A_155 : vector<16xf32>
      %get3A_157 = arith.constant 336 : index
      %get3A_158 = tpu.vector_load %arg6[%get3A_157] {strides = array<i32>} : memref<768xf32, #tpu.memory_space<vmem>>, vector<16xf32>,
      %get3A_159 = vector.shape_cast %get3A_158 : vector<16xf32> to vector<16xf32>
      %mul3A_160 = arith.constant 2.000000e+00 : f32
      %mul3A_161 = vector.broadcast %mul3A_160 : f32 to vector<16xf32>
      %mul3A_162 = arith.mulf %mul3A_161, %get3A_159 : vector<16xf32>
      %add3A_163 = arith.addf %add3A_156, %mul3A_162 : vector<16xf32>
      %swap3A_164 = arith.constant 592 : index
      %swap3A_165 = tpu.vector_load %arg8[%swap3A_164] {strides = array<i32>} : memref<768xf32, #tpu.memory_space<vmem>>, vector<16xf32>,
      %swap3A_166 = vector.shape_cast %swap3A_165 : vector<16xf32> to vector<16xf32>
      %swap3A_167 = vector.shape_cast %add3A_163 : vector<16xf32> to vector<16xf32>
      tpu.vector_store %arg8[%swap3A_164], %swap3A_167 {strides = array<i32>} : memref<768xf32, #tpu.memory_space<vmem>>, vector<16xf32>,
      %swap3A_168 = arith.constant 96 : index
      %swap3A_169 = tpu.vector_load %arg8[%swap3A_168] {strides = array<i32>} : memref<768xf32, #tpu.memory_space<vmem>>, vector<16xf32>,
      %swap3A_170 = vector.shape_cast %swap3A_169 : vector<16xf32> to vector<16xf32>
      %swap3A_171 = vector.shape_cast %mul3A : vector<16xf32> to vector<16xf32>
      tpu.vector_store %arg8[%swap3A_168], %swap3A_171 {strides = array<i32>} : memref<768xf32, #tpu.memory_space<vmem>>, vector<16xf32>,
      %swap3A_172 = arith.constant 352 : index
      %swap3A_173 = tpu.vector_load %arg8[%swap3A_172] {strides = array<i32>} : memref<768xf32, #tpu.memory_space<vmem>>, vector<16xf32>,
      %swap3A_174 = vector.shape_cast %swap3A_173 : vector<16xf32> to vector<16xf32>
      %swap3A_175 = vector.shape_cast %div3A : vector<16xf32> to vector<16xf32>
      tpu.vector_store %arg8[%swap3A_172], %swap3A_175 {strides = array<i32>} : memref<768xf32, #tpu.memory_space<vmem>>, vector<16xf32>,
      %get3A_176 = arith.constant 608 : index
      %get3A_177 = tpu.vector_load %arg6[%get3A_176] {strides = array<i32>} : memref<768xf32, #tpu.memory_space<vmem>>, vector<16xf32>,
      %get3A_178 = vector.shape_cast %get3A_177 : vector<16xf32> to vector<16xf32>
      %get3A_179 = arith.constant 96 : index
      %get3A_180 = tpu.vector_load %arg6[%get3A_179] {strides = array<i32>} : memref<768xf32, #tpu.memory_space<vmem>>, vector<16xf32>,
      %get3A_181 = vector.shape_cast %get3A_180 : vector<16xf32> to vector<16xf32>
      %add3A_182 = arith.addf %get3A_178, %get3A_181 : vector<16xf32>
      %get3A_183 = arith.constant 352 : index
      %get3A_184 = tpu.vector_load %arg6[%get3A_183] {strides = array<i32>} : memref<768xf32, #tpu.memory_space<vmem>>, vector<16xf32>,
      %get3A_185 = vector.shape_cast %get3A_184 : vector<16xf32> to vector<16xf32>
      %mul3A_186 = arith.constant 2.000000e+00 : f32
      %mul3A_187 = vector.broadcast %mul3A_186 : f32 to vector<16xf32>
      %mul3A_188 = arith.mulf %mul3A_187, %get3A_185 : vector<16xf32>
      %add3A_189 = arith.addf %add3A_182, %mul3A_188 : vector<16xf32>
      %swap3A_190 = arith.constant 608 : index
      %swap3A_191 = tpu.vector_load %arg8[%swap3A_190] {strides = array<i32>} : memref<768xf32, #tpu.memory_space<vmem>>, vector<16xf32>,
      %swap3A_192 = vector.shape_cast %swap3A_191 : vector<16xf32> to vector<16xf32>
      %swap3A_193 = vector.shape_cast %add3A_189 : vector<16xf32> to vector<16xf32>
      tpu.vector_store %arg8[%swap3A_190], %swap3A_193 {strides = array<i32>} : memref<768xf32, #tpu.memory_space<vmem>>, vector<16xf32>,
      %swap3A_194 = arith.constant 112 : index
      %swap3A_195 = tpu.vector_load %arg8[%swap3A_194] {strides = array<i32>} : memref<768xf32, #tpu.memory_space<vmem>>, vector<16xf32>,
      %swap3A_196 = vector.shape_cast %swap3A_195 : vector<16xf32> to vector<16xf32>
      %swap3A_197 = vector.shape_cast %mul3A : vector<16xf32> to vector<16xf32>
      tpu.vector_store %arg8[%swap3A_194], %swap3A_197 {strides = array<i32>} : memref<768xf32, #tpu.memory_space<vmem>>, vector<16xf32>,
      %swap3A_198 = arith.constant 368 : index
      %swap3A_199 = tpu.vector_load %arg8[%swap3A_198] {strides = array<i32>} : memref<768xf32, #tpu.memory_space<vmem>>, vector<16xf32>,
      %swap3A_200 = vector.shape_cast %swap3A_199 : vector<16xf32> to vector<16xf32>
      %swap3A_201 = vector.shape_cast %div3A : vector<16xf32> to vector<16xf32>
      tpu.vector_store %arg8[%swap3A_198], %swap3A_201 {strides = array<i32>} : memref<768xf32, #tpu.memory_space<vmem>>, vector<16xf32>,
      %get3A_202 = arith.constant 624 : index
      %get3A_203 = tpu.vector_load %arg6[%get3A_202] {strides = array<i32>} : memref<768xf32, #tpu.memory_space<vmem>>, vector<16xf32>,
      %get3A_204 = vector.shape_cast %get3A_203 : vector<16xf32> to vector<16xf32>
      %get3A_205 = arith.constant 112 : index
      %get3A_206 = tpu.vector_load %arg6[%get3A_205] {strides = array<i32>} : memref<768xf32, #tpu.memory_space<vmem>>, vector<16xf32>,
      %get3A_207 = vector.shape_cast %get3A_206 : vector<16xf32> to vector<16xf32>
      %add3A_208 = arith.addf %get3A_204, %get3A_207 : vector<16xf32>
      %get3A_209 = arith.constant 368 : index
      %get3A_210 = tpu.vector_load %arg6[%get3A_209] {strides = array<i32>} : memref<768xf32, #tpu.memory_space<vmem>>, vector<16xf32>,
      %get3A_211 = vector.shape_cast %get3A_210 : vector<16xf32> to vector<16xf32>
      %mul3A_212 = arith.constant 2.000000e+00 : f32
      %mul3A_213 = vector.broadcast %mul3A_212 : f32 to vector<16xf32>
      %mul3A_214 = arith.mulf %mul3A_213, %get3A_211 : vector<16xf32>
      %add3A_215 = arith.addf %add3A_208, %mul3A_214 : vector<16xf32>
      %swap3A_216 = arith.constant 624 : index
      %swap3A_217 = tpu.vector_load %arg8[%swap3A_216] {strides = array<i32>} : memref<768xf32, #tpu.memory_space<vmem>>, vector<16xf32>,
      %swap3A_218 = vector.shape_cast %swap3A_217 : vector<16xf32> to vector<16xf32>
      %swap3A_219 = vector.shape_cast %add3A_215 : vector<16xf32> to vector<16xf32>
      tpu.vector_store %arg8[%swap3A_216], %swap3A_219 {strides = array<i32>} : memref<768xf32, #tpu.memory_space<vmem>>, vector<16xf32>,
      %swap3A_220 = arith.constant 128 : index
      %swap3A_221 = tpu.vector_load %arg8[%swap3A_220] {strides = array<i32>} : memref<768xf32, #tpu.memory_space<vmem>>, vector<16xf32>,
      %swap3A_222 = vector.shape_cast %swap3A_221 : vector<16xf32> to vector<16xf32>
      %swap3A_223 = vector.shape_cast %mul3A : vector<16xf32> to vector<16xf32>
      tpu.vector_store %arg8[%swap3A_220], %swap3A_223 {strides = array<i32>} : memref<768xf32, #tpu.memory_space<vmem>>, vector<16xf32>,
      %swap3A_224 = arith.constant 384 : index
      %swap3A_225 = tpu.vector_load %arg8[%swap3A_224] {strides = array<i32>} : memref<768xf32, #tpu.memory_space<vmem>>, vector<16xf32>,
      %swap3A_226 = vector.shape_cast %swap3A_225 : vector<16xf32> to vector<16xf32>
      %swap3A_227 = vector.shape_cast %div3A : vector<16xf32> to vector<16xf32>
      tpu.vector_store %arg8[%swap3A_224], %swap3A_227 {strides = array<i32>} : memref<768xf32, #tpu.memory_space<vmem>>, vector<16xf32>,
      %get3A_228 = arith.constant 640 : index
      %get3A_229 = tpu.vector_load %arg6[%get3A_228] {strides = array<i32>} : memref<768xf32, #tpu.memory_space<vmem>>, vector<16xf32>,
      %get3A_230 = vector.shape_cast %get3A_229 : vector<16xf32> to vector<16xf32>
      %get3A_231 = arith.constant 128 : index
      %get3A_232 = tpu.vector_load %arg6[%get3A_231] {strides = array<i32>} : memref<768xf32, #tpu.memory_space<vmem>>, vector<16xf32>,
      %get3A_233 = vector.shape_cast %get3A_232 : vector<16xf32> to vector<16xf32>
      %add3A_234 = arith.addf %get3A_230, %get3A_233 : vector<16xf32>
      %get3A_235 = arith.constant 384 : index
      %get3A_236 = tpu.vector_load %arg6[%get3A_235] {strides = array<i32>} : memref<768xf32, #tpu.memory_space<vmem>>, vector<16xf32>,
      %get3A_237 = vector.shape_cast %get3A_236 : vector<16xf32> to vector<16xf32>
      %mul3A_238 = arith.constant 2.000000e+00 : f32
      %mul3A_239 = vector.broadcast %mul3A_238 : f32 to vector<16xf32>
      %mul3A_240 = arith.mulf %mul3A_239, %get3A_237 : vector<16xf32>
      %add3A_241 = arith.addf %add3A_234, %mul3A_240 : vector<16xf32>
      %swap3A_242 = arith.constant 640 : index
      %swap3A_243 = tpu.vector_load %arg8[%swap3A_242] {strides = array<i32>} : memref<768xf32, #tpu.memory_space<vmem>>, vector<16xf32>,
      %swap3A_244 = vector.shape_cast %swap3A_243 : vector<16xf32> to vector<16xf32>
      %swap3A_245 = vector.shape_cast %add3A_241 : vector<16xf32> to vector<16xf32>
      tpu.vector_store %arg8[%swap3A_242], %swap3A_245 {strides = array<i32>} : memref<768xf32, #tpu.memory_space<vmem>>, vector<16xf32>,
      %swap3A_246 = arith.constant 144 : index
      %swap3A_247 = tpu.vector_load %arg8[%swap3A_246] {strides = array<i32>} : memref<768xf32, #tpu.memory_space<vmem>>, vector<16xf32>,
      %swap3A_248 = vector.shape_cast %swap3A_247 : vector<16xf32> to vector<16xf32>
      %swap3A_249 = vector.shape_cast %mul3A : vector<16xf32> to vector<16xf32>
      tpu.vector_store %arg8[%swap3A_246], %swap3A_249 {strides = array<i32>} : memref<768xf32, #tpu.memory_space<vmem>>, vector<16xf32>,
      %swap3A_250 = arith.constant 400 : index
      %swap3A_251 = tpu.vector_load %arg8[%swap3A_250] {strides = array<i32>} : memref<768xf32, #tpu.memory_space<vmem>>, vector<16xf32>,
      %swap3A_252 = vector.shape_cast %swap3A_251 : vector<16xf32> to vector<16xf32>
      %swap3A_253 = vector.shape_cast %div3A : vector<16xf32> to vector<16xf32>
      tpu.vector_store %arg8[%swap3A_250], %swap3A_253 {strides = array<i32>} : memref<768xf32, #tpu.memory_space<vmem>>, vector<16xf32>,
      %get3A_254 = arith.constant 656 : index
      %get3A_255 = tpu.vector_load %arg6[%get3A_254] {strides = array<i32>} : memref<768xf32, #tpu.memory_space<vmem>>, vector<16xf32>,
      %get3A_256 = vector.shape_cast %get3A_255 : vector<16xf32> to vector<16xf32>
      %get3A_257 = arith.constant 144 : index
      %get3A_258 = tpu.vector_load %arg6[%get3A_257] {strides = array<i32>} : memref<768xf32, #tpu.memory_space<vmem>>, vector<16xf32>,
      %get3A_259 = vector.shape_cast %get3A_258 : vector<16xf32> to vector<16xf32>
      %add3A_260 = arith.addf %get3A_256, %get3A_259 : vector<16xf32>
      %get3A_261 = arith.constant 400 : index
      %get3A_262 = tpu.vector_load %arg6[%get3A_261] {strides = array<i32>} : memref<768xf32, #tpu.memory_space<vmem>>, vector<16xf32>,
      %get3A_263 = vector.shape_cast %get3A_262 : vector<16xf32> to vector<16xf32>
      %mul3A_264 = arith.constant 2.000000e+00 : f32
      %mul3A_265 = vector.broadcast %mul3A_264 : f32 to vector<16xf32>
      %mul3A_266 = arith.mulf %mul3A_265, %get3A_263 : vector<16xf32>
      %add3A_267 = arith.addf %add3A_260, %mul3A_266 : vector<16xf32>
      %swap3A_268 = arith.constant 656 : index
      %swap3A_269 = tpu.vector_load %arg8[%swap3A_268] {strides = array<i32>} : memref<768xf32, #tpu.memory_space<vmem>>, vector<16xf32>,
      %swap3A_270 = vector.shape_cast %swap3A_269 : vector<16xf32> to vector<16xf32>
      %swap3A_271 = vector.shape_cast %add3A_267 : vector<16xf32> to vector<16xf32>
      tpu.vector_store %arg8[%swap3A_268], %swap3A_271 {strides = array<i32>} : memref<768xf32, #tpu.memory_space<vmem>>, vector<16xf32>,
      %swap3A_272 = arith.constant 160 : index
      %swap3A_273 = tpu.vector_load %arg8[%swap3A_272] {strides = array<i32>} : memref<768xf32, #tpu.memory_space<vmem>>, vector<16xf32>,
      %swap3A_274 = vector.shape_cast %swap3A_273 : vector<16xf32> to vector<16xf32>
      %swap3A_275 = vector.shape_cast %mul3A : vector<16xf32> to vector<16xf32>
      tpu.vector_store %arg8[%swap3A_272], %swap3A_275 {strides = array<i32>} : memref<768xf32, #tpu.memory_space<vmem>>, vector<16xf32>,
      %swap3A_276 = arith.constant 416 : index
      %swap3A_277 = tpu.vector_load %arg8[%swap3A_276] {strides = array<i32>} : memref<768xf32, #tpu.memory_space<vmem>>, vector<16xf32>,
      %swap3A_278 = vector.shape_cast %swap3A_277 : vector<16xf32> to vector<16xf32>
      %swap3A_279 = vector.shape_cast %div3A : vector<16xf32> to vector<16xf32>
      tpu.vector_store %arg8[%swap3A_276], %swap3A_279 {strides = array<i32>} : memref<768xf32, #tpu.memory_space<vmem>>, vector<16xf32>,
      %get3A_280 = arith.constant 672 : index
      %get3A_281 = tpu.vector_load %arg6[%get3A_280] {strides = array<i32>} : memref<768xf32, #tpu.memory_space<vmem>>, vector<16xf32>,
      %get3A_282 = vector.shape_cast %get3A_281 : vector<16xf32> to vector<16xf32>
      %get3A_283 = arith.constant 160 : index
      %get3A_284 = tpu.vector_load %arg6[%get3A_283] {strides = array<i32>} : memref<768xf32, #tpu.memory_space<vmem>>, vector<16xf32>,
      %get3A_285 = vector.shape_cast %get3A_284 : vector<16xf32> to vector<16xf32>
      %add3A_286 = arith.addf %get3A_282, %get3A_285 : vector<16xf32>
      %get3A_287 = arith.constant 416 : index
      %get3A_288 = tpu.vector_load %arg6[%get3A_287] {strides = array<i32>} : memref<768xf32, #tpu.memory_space<vmem>>, vector<16xf32>,
      %get3A_289 = vector.shape_cast %get3A_288 : vector<16xf32> to vector<16xf32>
      %mul3A_290 = arith.constant 2.000000e+00 : f32
      %mul3A_291 = vector.broadcast %mul3A_290 : f32 to vector<16xf32>
      %mul3A_292 = arith.mulf %mul3A_291, %get3A_289 : vector<16xf32>
      %add3A_293 = arith.addf %add3A_286, %mul3A_292 : vector<16xf32>
      %swap3A_294 = arith.constant 672 : index
      %swap3A_295 = tpu.vector_load %arg8[%swap3A_294] {strides = array<i32>} : memref<768xf32, #tpu.memory_space<vmem>>, vector<16xf32>,
      %swap3A_296 = vector.shape_cast %swap3A_295 : vector<16xf32> to vector<16xf32>
      %swap3A_297 = vector.shape_cast %add3A_293 : vector<16xf32> to vector<16xf32>
      tpu.vector_store %arg8[%swap3A_294], %swap3A_297 {strides = array<i32>} : memref<768xf32, #tpu.memory_space<vmem>>, vector<16xf32>,
      %swap3A_298 = arith.constant 176 : index
      %swap3A_299 = tpu.vector_load %arg8[%swap3A_298] {strides = array<i32>} : memref<768xf32, #tpu.memory_space<vmem>>, vector<16xf32>,
      %swap3A_300 = vector.shape_cast %swap3A_299 : vector<16xf32> to vector<16xf32>
      %swap3A_301 = vector.shape_cast %mul3A : vector<16xf32> to vector<16xf32>
      tpu.vector_store %arg8[%swap3A_298], %swap3A_301 {strides = array<i32>} : memref<768xf32, #tpu.memory_space<vmem>>, vector<16xf32>,
      %swap3A_302 = arith.constant 432 : index
      %swap3A_303 = tpu.vector_load %arg8[%swap3A_302] {strides = array<i32>} : memref<768xf32, #tpu.memory_space<vmem>>, vector<16xf32>,
      %swap3A_304 = vector.shape_cast %swap3A_303 : vector<16xf32> to vector<16xf32>
      %swap3A_305 = vector.shape_cast %div3A : vector<16xf32> to vector<16xf32>
      tpu.vector_store %arg8[%swap3A_302], %swap3A_305 {strides = array<i32>} : memref<768xf32, #tpu.memory_space<vmem>>, vector<16xf32>,
      %get3A_306 = arith.constant 688 : index
      %get3A_307 = tpu.vector_load %arg6[%get3A_306] {strides = array<i32>} : memref<768xf32, #tpu.memory_space<vmem>>, vector<16xf32>,
      %get3A_308 = vector.shape_cast %get3A_307 : vector<16xf32> to vector<16xf32>
      %get3A_309 = arith.constant 176 : index
      %get3A_310 = tpu.vector_load %arg6[%get3A_309] {strides = array<i32>} : memref<768xf32, #tpu.memory_space<vmem>>, vector<16xf32>,
      %get3A_311 = vector.shape_cast %get3A_310 : vector<16xf32> to vector<16xf32>
      %add3A_312 = arith.addf %get3A_308, %get3A_311 : vector<16xf32>
      %get3A_313 = arith.constant 432 : index
      %get3A_314 = tpu.vector_load %arg6[%get3A_313] {strides = array<i32>} : memref<768xf32, #tpu.memory_space<vmem>>, vector<16xf32>,
      %get3A_315 = vector.shape_cast %get3A_314 : vector<16xf32> to vector<16xf32>
      %mul3A_316 = arith.constant 2.000000e+00 : f32
      %mul3A_317 = vector.broadcast %mul3A_316 : f32 to vector<16xf32>
      %mul3A_318 = arith.mulf %mul3A_317, %get3A_315 : vector<16xf32>
      %add3A_319 = arith.addf %add3A_312, %mul3A_318 : vector<16xf32>
      %swap3A_320 = arith.constant 688 : index
      %swap3A_321 = tpu.vector_load %arg8[%swap3A_320] {strides = array<i32>} : memref<768xf32, #tpu.memory_space<vmem>>, vector<16xf32>,
      %swap3A_322 = vector.shape_cast %swap3A_321 : vector<16xf32> to vector<16xf32>
      %swap3A_323 = vector.shape_cast %add3A_319 : vector<16xf32> to vector<16xf32>
      tpu.vector_store %arg8[%swap3A_320], %swap3A_323 {strides = array<i32>} : memref<768xf32, #tpu.memory_space<vmem>>, vector<16xf32>,
      %swap3A_324 = arith.constant 192 : index
      %swap3A_325 = tpu.vector_load %arg8[%swap3A_324] {strides = array<i32>} : memref<768xf32, #tpu.memory_space<vmem>>, vector<16xf32>,
      %swap3A_326 = vector.shape_cast %swap3A_325 : vector<16xf32> to vector<16xf32>
      %swap3A_327 = vector.shape_cast %mul3A : vector<16xf32> to vector<16xf32>
      tpu.vector_store %arg8[%swap3A_324], %swap3A_327 {strides = array<i32>} : memref<768xf32, #tpu.memory_space<vmem>>, vector<16xf32>,
      %swap3A_328 = arith.constant 448 : index
      %swap3A_329 = tpu.vector_load %arg8[%swap3A_328] {strides = array<i32>} : memref<768xf32, #tpu.memory_space<vmem>>, vector<16xf32>,
      %swap3A_330 = vector.shape_cast %swap3A_329 : vector<16xf32> to vector<16xf32>
      %swap3A_331 = vector.shape_cast %div3A : vector<16xf32> to vector<16xf32>
      tpu.vector_store %arg8[%swap3A_328], %swap3A_331 {strides = array<i32>} : memref<768xf32, #tpu.memory_space<vmem>>, vector<16xf32>,
      %get3A_332 = arith.constant 704 : index
      %get3A_333 = tpu.vector_load %arg6[%get3A_332] {strides = array<i32>} : memref<768xf32, #tpu.memory_space<vmem>>, vector<16xf32>,
      %get3A_334 = vector.shape_cast %get3A_333 : vector<16xf32> to vector<16xf32>
      %get3A_335 = arith.constant 192 : index
      %get3A_336 = tpu.vector_load %arg6[%get3A_335] {strides = array<i32>} : memref<768xf32, #tpu.memory_space<vmem>>, vector<16xf32>,
      %get3A_337 = vector.shape_cast %get3A_336 : vector<16xf32> to vector<16xf32>
      %add3A_338 = arith.addf %get3A_334, %get3A_337 : vector<16xf32>
      %get3A_339 = arith.constant 448 : index
      %get3A_340 = tpu.vector_load %arg6[%get3A_339] {strides = array<i32>} : memref<768xf32, #tpu.memory_space<vmem>>, vector<16xf32>,
      %get3A_341 = vector.shape_cast %get3A_340 : vector<16xf32> to vector<16xf32>
      %mul3A_342 = arith.constant 2.000000e+00 : f32
      %mul3A_343 = vector.broadcast %mul3A_342 : f32 to vector<16xf32>
      %mul3A_344 = arith.mulf %mul3A_343, %get3A_341 : vector<16xf32>
      %add3A_345 = arith.addf %add3A_338, %mul3A_344 : vector<16xf32>
      %swap3A_346 = arith.constant 704 : index
      %swap3A_347 = tpu.vector_load %arg8[%swap3A_346] {strides = array<i32>} : memref<768xf32, #tpu.memory_space<vmem>>, vector<16xf32>,
      %swap3A_348 = vector.shape_cast %swap3A_347 : vector<16xf32> to vector<16xf32>
      %swap3A_349 = vector.shape_cast %add3A_345 : vector<16xf32> to vector<16xf32>
      tpu.vector_store %arg8[%swap3A_346], %swap3A_349 {strides = array<i32>} : memref<768xf32, #tpu.memory_space<vmem>>, vector<16xf32>,
      %swap3A_350 = arith.constant 208 : index
      %swap3A_351 = tpu.vector_load %arg8[%swap3A_350] {strides = array<i32>} : memref<768xf32, #tpu.memory_space<vmem>>, vector<16xf32>,
      %swap3A_352 = vector.shape_cast %swap3A_351 : vector<16xf32> to vector<16xf32>
      %swap3A_353 = vector.shape_cast %mul3A : vector<16xf32> to vector<16xf32>
      tpu.vector_store %arg8[%swap3A_350], %swap3A_353 {strides = array<i32>} : memref<768xf32, #tpu.memory_space<vmem>>, vector<16xf32>,
      %swap3A_354 = arith.constant 464 : index
      %swap3A_355 = tpu.vector_load %arg8[%swap3A_354] {strides = array<i32>} : memref<768xf32, #tpu.memory_space<vmem>>, vector<16xf32>,
      %swap3A_356 = vector.shape_cast %swap3A_355 : vector<16xf32> to vector<16xf32>
      %swap3A_357 = vector.shape_cast %div3A : vector<16xf32> to vector<16xf32>
      tpu.vector_store %arg8[%swap3A_354], %swap3A_357 {strides = array<i32>} : memref<768xf32, #tpu.memory_space<vmem>>, vector<16xf32>,
      %get3A_358 = arith.constant 720 : index
      %get3A_359 = tpu.vector_load %arg6[%get3A_358] {strides = array<i32>} : memref<768xf32, #tpu.memory_space<vmem>>, vector<16xf32>,
      %get3A_360 = vector.shape_cast %get3A_359 : vector<16xf32> to vector<16xf32>
      %get3A_361 = arith.constant 208 : index
      %get3A_362 = tpu.vector_load %arg6[%get3A_361] {strides = array<i32>} : memref<768xf32, #tpu.memory_space<vmem>>, vector<16xf32>,
      %get3A_363 = vector.shape_cast %get3A_362 : vector<16xf32> to vector<16xf32>
      %add3A_364 = arith.addf %get3A_360, %get3A_363 : vector<16xf32>
      %get3A_365 = arith.constant 464 : index
      %get3A_366 = tpu.vector_load %arg6[%get3A_365] {strides = array<i32>} : memref<768xf32, #tpu.memory_space<vmem>>, vector<16xf32>,
      %get3A_367 = vector.shape_cast %get3A_366 : vector<16xf32> to vector<16xf32>
      %mul3A_368 = arith.constant 2.000000e+00 : f32
      %mul3A_369 = vector.broadcast %mul3A_368 : f32 to vector<16xf32>
      %mul3A_370 = arith.mulf %mul3A_369, %get3A_367 : vector<16xf32>
      %add3A_371 = arith.addf %add3A_364, %mul3A_370 : vector<16xf32>
      %swap3A_372 = arith.constant 720 : index
      %swap3A_373 = tpu.vector_load %arg8[%swap3A_372] {strides = array<i32>} : memref<768xf32, #tpu.memory_space<vmem>>, vector<16xf32>,
      %swap3A_374 = vector.shape_cast %swap3A_373 : vector<16xf32> to vector<16xf32>
      %swap3A_375 = vector.shape_cast %add3A_371 : vector<16xf32> to vector<16xf32>
      tpu.vector_store %arg8[%swap3A_372], %swap3A_375 {strides = array<i32>} : memref<768xf32, #tpu.memory_space<vmem>>, vector<16xf32>,
      %swap3A_376 = arith.constant 224 : index
      %swap3A_377 = tpu.vector_load %arg8[%swap3A_376] {strides = array<i32>} : memref<768xf32, #tpu.memory_space<vmem>>, vector<16xf32>,
      %swap3A_378 = vector.shape_cast %swap3A_377 : vector<16xf32> to vector<16xf32>
      %swap3A_379 = vector.shape_cast %mul3A : vector<16xf32> to vector<16xf32>
      tpu.vector_store %arg8[%swap3A_376], %swap3A_379 {strides = array<i32>} : memref<768xf32, #tpu.memory_space<vmem>>, vector<16xf32>,
      %swap3A_380 = arith.constant 480 : index
      %swap3A_381 = tpu.vector_load %arg8[%swap3A_380] {strides = array<i32>} : memref<768xf32, #tpu.memory_space<vmem>>, vector<16xf32>,
      %swap3A_382 = vector.shape_cast %swap3A_381 : vector<16xf32> to vector<16xf32>
      %swap3A_383 = vector.shape_cast %div3A : vector<16xf32> to vector<16xf32>
      tpu.vector_store %arg8[%swap3A_380], %swap3A_383 {strides = array<i32>} : memref<768xf32, #tpu.memory_space<vmem>>, vector<16xf32>,
      %get3A_384 = arith.constant 736 : index
      %get3A_385 = tpu.vector_load %arg6[%get3A_384] {strides = array<i32>} : memref<768xf32, #tpu.memory_space<vmem>>, vector<16xf32>,
      %get3A_386 = vector.shape_cast %get3A_385 : vector<16xf32> to vector<16xf32>
      %get3A_387 = arith.constant 224 : index
      %get3A_388 = tpu.vector_load %arg6[%get3A_387] {strides = array<i32>} : memref<768xf32, #tpu.memory_space<vmem>>, vector<16xf32>,
      %get3A_389 = vector.shape_cast %get3A_388 : vector<16xf32> to vector<16xf32>
      %add3A_390 = arith.addf %get3A_386, %get3A_389 : vector<16xf32>
      %get3A_391 = arith.constant 480 : index
      %get3A_392 = tpu.vector_load %arg6[%get3A_391] {strides = array<i32>} : memref<768xf32, #tpu.memory_space<vmem>>, vector<16xf32>,
      %get3A_393 = vector.shape_cast %get3A_392 : vector<16xf32> to vector<16xf32>
      %mul3A_394 = arith.constant 2.000000e+00 : f32
      %mul3A_395 = vector.broadcast %mul3A_394 : f32 to vector<16xf32>
      %mul3A_396 = arith.mulf %mul3A_395, %get3A_393 : vector<16xf32>
      %add3A_397 = arith.addf %add3A_390, %mul3A_396 : vector<16xf32>
      %swap3A_398 = arith.constant 736 : index
      %swap3A_399 = tpu.vector_load %arg8[%swap3A_398] {strides = array<i32>} : memref<768xf32, #tpu.memory_space<vmem>>, vector<16xf32>,
      %swap3A_400 = vector.shape_cast %swap3A_399 : vector<16xf32> to vector<16xf32>
      %swap3A_401 = vector.shape_cast %add3A_397 : vector<16xf32> to vector<16xf32>
      tpu.vector_store %arg8[%swap3A_398], %swap3A_401 {strides = array<i32>} : memref<768xf32, #tpu.memory_space<vmem>>, vector<16xf32>,
      %swap3A_402 = arith.constant 240 : index
      %swap3A_403 = tpu.vector_load %arg8[%swap3A_402] {strides = array<i32>} : memref<768xf32, #tpu.memory_space<vmem>>, vector<16xf32>,
      %swap3A_404 = vector.shape_cast %swap3A_403 : vector<16xf32> to vector<16xf32>
      %swap3A_405 = vector.shape_cast %mul3A : vector<16xf32> to vector<16xf32>
      tpu.vector_store %arg8[%swap3A_402], %swap3A_405 {strides = array<i32>} : memref<768xf32, #tpu.memory_space<vmem>>, vector<16xf32>,
      %swap3A_406 = arith.constant 496 : index
      %swap3A_407 = tpu.vector_load %arg8[%swap3A_406] {strides = array<i32>} : memref<768xf32, #tpu.memory_space<vmem>>, vector<16xf32>,
      %swap3A_408 = vector.shape_cast %swap3A_407 : vector<16xf32> to vector<16xf32>
      %swap3A_409 = vector.shape_cast %div3A : vector<16xf32> to vector<16xf32>
      tpu.vector_store %arg8[%swap3A_406], %swap3A_409 {strides = array<i32>} : memref<768xf32, #tpu.memory_space<vmem>>, vector<16xf32>,
      %get3A_410 = arith.constant 752 : index
      %get3A_411 = tpu.vector_load %arg6[%get3A_410] {strides = array<i32>} : memref<768xf32, #tpu.memory_space<vmem>>, vector<16xf32>,
      %get3A_412 = vector.shape_cast %get3A_411 : vector<16xf32> to vector<16xf32>
      %get3A_413 = arith.constant 240 : index
      %get3A_414 = tpu.vector_load %arg6[%get3A_413] {strides = array<i32>} : memref<768xf32, #tpu.memory_space<vmem>>, vector<16xf32>,
      %get3A_415 = vector.shape_cast %get3A_414 : vector<16xf32> to vector<16xf32>
      %add3A_416 = arith.addf %get3A_412, %get3A_415 : vector<16xf32>
      %get3A_417 = arith.constant 496 : index
      %get3A_418 = tpu.vector_load %arg6[%get3A_417] {strides = array<i32>} : memref<768xf32, #tpu.memory_space<vmem>>, vector<16xf32>,
      %get3A_419 = vector.shape_cast %get3A_418 : vector<16xf32> to vector<16xf32>
      %mul3A_420 = arith.constant 2.000000e+00 : f32
      %mul3A_421 = vector.broadcast %mul3A_420 : f32 to vector<16xf32>
      %mul3A_422 = arith.mulf %mul3A_421, %get3A_419 : vector<16xf32>
      %add3A_423 = arith.addf %add3A_416, %mul3A_422 : vector<16xf32>
      %swap3A_424 = arith.constant 752 : index
      %swap3A_425 = tpu.vector_load %arg8[%swap3A_424] {strides = array<i32>} : memref<768xf32, #tpu.memory_space<vmem>>, vector<16xf32>,
      %swap3A_426 = vector.shape_cast %swap3A_425 : vector<16xf32> to vector<16xf32>
      %swap3A_427 = vector.shape_cast %add3A_423 : vector<16xf32> to vector<16xf32>
      tpu.vector_store %arg8[%swap3A_424], %swap3A_427 {strides = array<i32>} : memref<768xf32, #tpu.memory_space<vmem>>, vector<16xf32>,
      %run_scoped3A_428 = arith.constant 0 : i32
      "tpu.region"() ({
        %run_scoped3A_431 = tpu.sem_alloc : memref<!tpu.dma_semaphore, #tpu.memory_space<semaphore_mem>>
        %dma_start3A = arith.constant 0 : i32
        %dma_start3A_432 = tpu.memref_slice %arg8[%dma_start3A] : memref<768xf32, #tpu.memory_space<vmem>> -> memref<256xf32, #tpu.memory_space<vmem>>
        %dma_start3A_433 = arith.constant 0 : i32
        %dma_start3A_434 = tpu.memref_slice %arg4[%run_scoped3A_428, %dma_start3A_433] : memref<65536x256xf32, #tpu.memory_space<hbm>> -> memref<1x256xf32, #tpu.memory_space<hbm>>
        %dma_start3A_435 = tpu.memref_squeeze %dma_start3A_434 : memref<1x256xf32, #tpu.memory_space<hbm>> -> memref<256xf32, #tpu.memory_space<hbm>>
        %dma_start3A_436 = arith.constant 0 : i32
        %dma_start3A_437 = tpu.memref_slice %arg4[%run_scoped3A_428, %dma_start3A_436] : memref<65536x256xf32, #tpu.memory_space<hbm>> -> memref<1x256xf32, #tpu.memory_space<hbm>>
        %dma_start3A_438 = tpu.memref_squeeze %dma_start3A_437 : memref<1x256xf32, #tpu.memory_space<hbm>> -> memref<256xf32, #tpu.memory_space<hbm>>
        %dma_start3A_439 = arith.constant 0 : i32
        %dma_start3A_440 = tpu.memref_slice %arg8[%dma_start3A_439] : memref<768xf32, #tpu.memory_space<vmem>> -> memref<256xf32, #tpu.memory_space<vmem>>
        tpu.enqueue_dma source(%dma_start3A_440 : memref<256xf32, #tpu.memory_space<vmem>>) target(%dma_start3A_438 : memref<256xf32, #tpu.memory_space<hbm>>) target_semaphore(%run_scoped3A_431 : memref<!tpu.dma_semaphore, #tpu.memory_space<semaphore_mem>>)
        %dma_wait3A = arith.constant 0 : i32
        %dma_wait3A_441 = tpu.memref_slice %arg8[%dma_wait3A] : memref<768xf32, #tpu.memory_space<vmem>> -> memref<256xf32, #tpu.memory_space<vmem>>
        %dma_wait3A_442 = arith.constant 0 : i32
        %dma_wait3A_443 = tpu.memref_slice %arg4[%run_scoped3A_428, %dma_wait3A_442] : memref<65536x256xf32, #tpu.memory_space<hbm>> -> memref<1x256xf32, #tpu.memory_space<hbm>>
        %dma_wait3A_444 = tpu.memref_squeeze %dma_wait3A_443 : memref<1x256xf32, #tpu.memory_space<hbm>> -> memref<256xf32, #tpu.memory_space<hbm>>
        %dma_wait3A_445 = arith.constant 0 : i32
        %dma_wait3A_446 = tpu.memref_slice %arg4[%run_scoped3A_428, %dma_wait3A_445] : memref<65536x256xf32, #tpu.memory_space<hbm>> -> memref<1x256xf32, #tpu.memory_space<hbm>>
        %dma_wait3A_447 = tpu.memref_squeeze %dma_wait3A_446 : memref<1x256xf32, #tpu.memory_space<hbm>> -> memref<256xf32, #tpu.memory_space<hbm>>
        %dma_wait3A_448 = arith.constant 0 : i32
        %dma_wait3A_449 = tpu.memref_slice %arg8[%dma_wait3A_448] : memref<768xf32, #tpu.memory_space<vmem>> -> memref<256xf32, #tpu.memory_space<vmem>>
        tpu.wait_dma2 semaphore(%run_scoped3A_431 : memref<!tpu.dma_semaphore, #tpu.memory_space<semaphore_mem>>) src(%dma_wait3A_449 : memref<256xf32, #tpu.memory_space<vmem>>) dst(%dma_wait3A_447 : memref<256xf32, #tpu.memory_space<hbm>>)
        tpu.yield
      }) : () -> ()
      %run_scoped3A_429 = arith.constant 1 : i32
      "tpu.region"() ({
        %run_scoped3A_431 = tpu.sem_alloc : memref<!tpu.dma_semaphore, #tpu.memory_space<semaphore_mem>>
        %dma_start3A = arith.constant 256 : i32
        %dma_start3A_432 = tpu.memref_slice %arg8[%dma_start3A] : memref<768xf32, #tpu.memory_space<vmem>> -> memref<256xf32, #tpu.memory_space<vmem>>
        %dma_start3A_433 = arith.constant 0 : i32
        %dma_start3A_434 = tpu.memref_slice %arg4[%run_scoped3A_429, %dma_start3A_433] : memref<65536x256xf32, #tpu.memory_space<hbm>> -> memref<1x256xf32, #tpu.memory_space<hbm>>
        %dma_start3A_435 = tpu.memref_squeeze %dma_start3A_434 : memref<1x256xf32, #tpu.memory_space<hbm>> -> memref<256xf32, #tpu.memory_space<hbm>>
        %dma_start3A_436 = arith.constant 0 : i32
        %dma_start3A_437 = tpu.memref_slice %arg4[%run_scoped3A_429, %dma_start3A_436] : memref<65536x256xf32, #tpu.memory_space<hbm>> -> memref<1x256xf32, #tpu.memory_space<hbm>>
        %dma_start3A_438 = tpu.memref_squeeze %dma_start3A_437 : memref<1x256xf32, #tpu.memory_space<hbm>> -> memref<256xf32, #tpu.memory_space<hbm>>
        %dma_start3A_439 = arith.constant 256 : i32
        %dma_start3A_440 = tpu.memref_slice %arg8[%dma_start3A_439] : memref<768xf32, #tpu.memory_space<vmem>> -> memref<256xf32, #tpu.memory_space<vmem>>
        tpu.enqueue_dma source(%dma_start3A_440 : memref<256xf32, #tpu.memory_space<vmem>>) target(%dma_start3A_438 : memref<256xf32, #tpu.memory_space<hbm>>) target_semaphore(%run_scoped3A_431 : memref<!tpu.dma_semaphore, #tpu.memory_space<semaphore_mem>>)
        %dma_wait3A = arith.constant 256 : i32
        %dma_wait3A_441 = tpu.memref_slice %arg8[%dma_wait3A] : memref<768xf32, #tpu.memory_space<vmem>> -> memref<256xf32, #tpu.memory_space<vmem>>
        %dma_wait3A_442 = arith.constant 0 : i32
        %dma_wait3A_443 = tpu.memref_slice %arg4[%run_scoped3A_429, %dma_wait3A_442] : memref<65536x256xf32, #tpu.memory_space<hbm>> -> memref<1x256xf32, #tpu.memory_space<hbm>>
        %dma_wait3A_444 = tpu.memref_squeeze %dma_wait3A_443 : memref<1x256xf32, #tpu.memory_space<hbm>> -> memref<256xf32, #tpu.memory_space<hbm>>
        %dma_wait3A_445 = arith.constant 0 : i32
        %dma_wait3A_446 = tpu.memref_slice %arg4[%run_scoped3A_429, %dma_wait3A_445] : memref<65536x256xf32, #tpu.memory_space<hbm>> -> memref<1x256xf32, #tpu.memory_space<hbm>>
        %dma_wait3A_447 = tpu.memref_squeeze %dma_wait3A_446 : memref<1x256xf32, #tpu.memory_space<hbm>> -> memref<256xf32, #tpu.memory_space<hbm>>
        %dma_wait3A_448 = arith.constant 256 : i32
        %dma_wait3A_449 = tpu.memref_slice %arg8[%dma_wait3A_448] : memref<768xf32, #tpu.memory_space<vmem>> -> memref<256xf32, #tpu.memory_space<vmem>>
        tpu.wait_dma2 semaphore(%run_scoped3A_431 : memref<!tpu.dma_semaphore, #tpu.memory_space<semaphore_mem>>) src(%dma_wait3A_449 : memref<256xf32, #tpu.memory_space<vmem>>) dst(%dma_wait3A_447 : memref<256xf32, #tpu.memory_space<hbm>>)
        tpu.yield
      }) : () -> ()
      %run_scoped3A_430 = arith.constant 2 : i32
      "tpu.region"() ({
        %run_scoped3A_431 = tpu.sem_alloc : memref<!tpu.dma_semaphore, #tpu.memory_space<semaphore_mem>>
        %dma_start3A = arith.constant 512 : i32
        %dma_start3A_432 = tpu.memref_slice %arg8[%dma_start3A] : memref<768xf32, #tpu.memory_space<vmem>> -> memref<256xf32, #tpu.memory_space<vmem>>
        %dma_start3A_433 = arith.constant 0 : i32
        %dma_start3A_434 = tpu.memref_slice %arg4[%run_scoped3A_430, %dma_start3A_433] : memref<65536x256xf32, #tpu.memory_space<hbm>> -> memref<1x256xf32, #tpu.memory_space<hbm>>
        %dma_start3A_435 = tpu.memref_squeeze %dma_start3A_434 : memref<1x256xf32, #tpu.memory_space<hbm>> -> memref<256xf32, #tpu.memory_space<hbm>>
        %dma_start3A_436 = arith.constant 0 : i32
        %dma_start3A_437 = tpu.memref_slice %arg4[%run_scoped3A_430, %dma_start3A_436] : memref<65536x256xf32, #tpu.memory_space<hbm>> -> memref<1x256xf32, #tpu.memory_space<hbm>>
        %dma_start3A_438 = tpu.memref_squeeze %dma_start3A_437 : memref<1x256xf32, #tpu.memory_space<hbm>> -> memref<256xf32, #tpu.memory_space<hbm>>
        %dma_start3A_439 = arith.constant 512 : i32
        %dma_start3A_440 = tpu.memref_slice %arg8[%dma_start3A_439] : memref<768xf32, #tpu.memory_space<vmem>> -> memref<256xf32, #tpu.memory_space<vmem>>
        tpu.enqueue_dma source(%dma_start3A_440 : memref<256xf32, #tpu.memory_space<vmem>>) target(%dma_start3A_438 : memref<256xf32, #tpu.memory_space<hbm>>) target_semaphore(%run_scoped3A_431 : memref<!tpu.dma_semaphore, #tpu.memory_space<semaphore_mem>>)
        %dma_wait3A = arith.constant 512 : i32
        %dma_wait3A_441 = tpu.memref_slice %arg8[%dma_wait3A] : memref<768xf32, #tpu.memory_space<vmem>> -> memref<256xf32, #tpu.memory_space<vmem>>
        %dma_wait3A_442 = arith.constant 0 : i32
        %dma_wait3A_443 = tpu.memref_slice %arg4[%run_scoped3A_430, %dma_wait3A_442] : memref<65536x256xf32, #tpu.memory_space<hbm>> -> memref<1x256xf32, #tpu.memory_space<hbm>>
        %dma_wait3A_444 = tpu.memref_squeeze %dma_wait3A_443 : memref<1x256xf32, #tpu.memory_space<hbm>> -> memref<256xf32, #tpu.memory_space<hbm>>
        %dma_wait3A_445 = arith.constant 0 : i32
        %dma_wait3A_446 = tpu.memref_slice %arg4[%run_scoped3A_430, %dma_wait3A_445] : memref<65536x256xf32, #tpu.memory_space<hbm>> -> memref<1x256xf32, #tpu.memory_space<hbm>>
        %dma_wait3A_447 = tpu.memref_squeeze %dma_wait3A_446 : memref<1x256xf32, #tpu.memory_space<hbm>> -> memref<256xf32, #tpu.memory_space<hbm>>
        %dma_wait3A_448 = arith.constant 512 : i32
        %dma_wait3A_449 = tpu.memref_slice %arg8[%dma_wait3A_448] : memref<768xf32, #tpu.memory_space<vmem>> -> memref<256xf32, #tpu.memory_space<vmem>>
        tpu.wait_dma2 semaphore(%run_scoped3A_431 : memref<!tpu.dma_semaphore, #tpu.memory_space<semaphore_mem>>) src(%dma_wait3A_449 : memref<256xf32, #tpu.memory_space<vmem>>) dst(%dma_wait3A_447 : memref<256xf32, #tpu.memory_space<hbm>>)
        tpu.yield
      }) : () -> ()
    } else {
    }
    return
  }
}

</mosaic_0001>

<sc_bundles>
// kernel: kernel.3.cloned.1.call-start
scs
__scs_entry_jumppad:
0x0: {  	(pc) =	sbr.rel $0x88, $3  }
0x1: {  	(tag) =	ssettag $0x0;
	lr =	simm.s32 $0x1  }
0x2: {  	[smem:$0x3F9E] =	sst lr;
	_ =	strace $0xD0000000  }
0x3: {  	_ = 	snop  }
0x4: {  	_ = 	snop  }
0x5: {  	_ = 	snop  }
0x6: {  	_ = 	snop  }
0x7: {  	_ = 	snop  }
__scs_overlays_trampoline_lowered:
0x8: {  	[smem:$0x3FAD] =	sst s0  }
0x9: {  	[smem:$0x3FAE] =	sst s1  }
0xa: {  	[smem:$0x3FAF] =	sst s2  }
0xb: {  	[smem:$0x3FB0] =	sst s3  }
0xc: {  	[smem:$0x3FB1] =	sst s4  }
0xd: {  	[smem:$0x3FB2] =	sst s5  }
0xe: {  	[smem:$0x3FB3] =	sst s6  }
0xf: {  	[smem:$0x3FB4] =	sst s7  }
0x10: {  	[smem:$0x3FB5] =	sst s8  }
0x11: {  	[smem:$0x3FB6] =	sst s9;
	s0 =	simm.s32 @!p0 $0x0  }
0x12: {  	s1 =	sld [smem:$0x3F9C];
	s0 =	simm.s32 @p0 $0x1  }
0x13: {  	[smem:$0x3FB7] =	sst s0;
	s0 =	simm.s32 @!p1 $0x0  }
0x14: {  	s2 =	sld [smem:$0x3F9B];
	s0 =	simm.s32 @p1 $0x1  }
0x15: {  	[smem:$0x3FB8] =	sst s0;
	s0 =	simm.s32 @!p2 $0x0  }
0x16: {  	s3 =	sld [smem:$0x3FDB];
	s0 =	simm.s32 @p2 $0x1  }
0x17: {  	s4 =	simm.s32 $0x1BF5;
	[smem:$0x3FBA] =	sst s0  }
0x18: {  	s0 =	sld [smem:$0x3F9D];
	_ =	swait.ge [sflag:s4], $0x0  }
0x19: {  	s7 =	sld [smem:$0x3F9E]  }
0x1a: {  	s8 =	sadd.s32 $0xFFFFE003, lr  }
0x1b: {  	s9 =	sadd.s32 $0xFFFFFEF7, lr;
	s5 =	simm.s32 $0xFFFFFFFF;
	p2 =	slt.u32 s8, $0xFFFFF086  }
0x1c: {  	p1 =	slt.u32 s9, $0xF7A;
	s5 =	simm.s32 @!p2 $0x0  }
0x1d: {  	s5 =	simm.s32 @p1 $0x1;
	p0 =	seq.s32 s7, s2  }
0x1e: {  	s7 =	smul.u32 @!p0 $0xF7A, s2;
	p2 =	seq.s32 @!p0 s5, $0x0  }
0x1f: {  	s9 =	smul.u32 $0xF7A, s1;
	s8 =	simm.s32 @!p0 $0x1BF5;
	p2 =	por !p2, p0  }
0x20: {  	[sflag:s8] =	ssyncset.s32 @!p0 $0xFFFFF086;
	s6 =	sadd.s32 @!p0 s3, s7;
	s7 =	simm.s32 @!p0 $0x108  }
0x21: {  	s3 =	sadd.s32 s3, s9;
	s6 =	sadd.s32 @!p0 $0x88, s6;
	s7 =	simm.s32 @p2 $0x1082  }
0x22: {  	[simem:s7], [sflag:s8] =	dma.local @!p0 [hbm:s6], $0xF7A  }
0x23: {  	s9 =	sor.u32 $0xD0000000, s2;
	s6 =	simm.s32 $0x108;
	_ =	swait.ge @!p0 [sflag:s8], $0x0  }
0x24: {  	s3 =	sadd.s32 $0x88, s3;
	s6 =	simm.s32 @!p1 $0x1082;
	[sflag:s4] =	ssyncset.s32 $0xFFFFF086  }
0x25: {  	[simem:s6], [sflag:s4] =	dma.local [hbm:s3], $0xF7A  }
0x26: {  	[smem:$0x3F9E] =	sst s1;
	(tag) =	ssettag s2;
	_ =	strace s9  }
0x27: {  	s1 =	sld [smem:$0x3FAE]  }
0x28: {  	s2 =	sld [smem:$0x3FAF]  }
0x29: {  	s4 =	sld [smem:$0x3FB1]  }
0x2a: {  	p0 =	seq.s32 s5, $0x0;
	s5 =	sld [smem:$0x3FB2]  }
0x2b: {  	s6 =	sld [smem:$0x3FB3]  }
0x2c: {  	s7 =	sld [smem:$0x3FB4]  }
0x2d: {  	s3 =	simm.s32 $0x108;
	s8 =	sld [smem:$0x3FB5]  }
0x2e: {  	s3 =	simm.s32 @!p0 $0x1082;
	s9 =	sld [smem:$0x3FB6]  }
0x2f: {  	lr =	sadd.s32 s0, s3;
	s0 =	sld [smem:$0x3FAD]  }
0x30: {  	s3 =	sld [smem:$0x3FB0]  }
0x31: {  	[smem:$0x3FB9] =	sst s10  }
0x32: {  	s10 =	sld [smem:$0x3FB7];
	_ =	sdelay $0x3  }
0x33: {  	p0 =	seq.s32 s10, $0x1;
	s10 =	sld [smem:$0x3FB9];
	_ =	sdelay $0x3  }
0x34: {  	[smem:$0x3FB9] =	sst s10  }
0x35: {  	s10 =	sld [smem:$0x3FB8];
	_ =	sdelay $0x3  }
0x36: {  	p1 =	seq.s32 s10, $0x1;
	s10 =	sld [smem:$0x3FB9];
	_ =	sdelay $0x3  }
0x37: {  	[smem:$0x3FB9] =	sst s10  }
0x38: {  	s10 =	sld [smem:$0x3FBA]  }
0x39: {  	_ = 	snop;
	(pc) =	sbr.ind lr, $3  }
0x3a: {  	_ = 	snop  }
0x3b: {  	_ = 	snop  }
0x3c: {  	p2 =	seq.s32 s10, $0x1;
	s10 =	sld [smem:$0x3FB9]  }
0x3d: {  	_ =	shalt  }
0x3e: {  	_ =	shalt  }
0x3f: {  	_ =	shalt  }
0x40: {  	_ =	shalt  }
0x41: {  	_ =	shalt  }
0x42: {  	_ =	shalt  }
0x43: {  	_ =	shalt  }
0x44: {  	_ =	shalt  }
0x45: {  	_ =	shalt  }
0x46: {  	_ =	shalt  }
0x47: {  	_ =	shalt  }
0x48: {  	_ =	shalt  }
0x49: {  	_ =	shalt  }
0x4a: {  	_ =	shalt  }
0x4b: {  	_ =	shalt  }
0x4c: {  	_ =	shalt  }
0x4d: {  	_ =	shalt  }
0x4e: {  	_ =	shalt  }
0x4f: {  	_ =	shalt  }
0x50: {  	_ =	shalt  }
0x51: {  	_ =	shalt  }
0x52: {  	_ =	shalt  }
0x53: {  	_ =	shalt  }
0x54: {  	_ =	shalt  }
0x55: {  	_ =	shalt  }
0x56: {  	_ =	shalt  }
0x57: {  	_ =	shalt  }
0x58: {  	_ =	shalt  }
0x59: {  	_ =	shalt  }
0x5a: {  	_ =	shalt  }
0x5b: {  	_ =	shalt  }
0x5c: {  	_ =	shalt  }
0x5d: {  	_ =	shalt  }
0x5e: {  	_ =	shalt  }
0x5f: {  	_ =	shalt  }
0x60: {  	_ =	shalt  }
0x61: {  	_ =	shalt  }
0x62: {  	_ =	shalt  }
0x63: {  	_ =	shalt  }
0x64: {  	_ =	shalt  }
0x65: {  	_ =	shalt  }
0x66: {  	_ =	shalt  }
0x67: {  	_ =	shalt  }
0x68: {  	_ =	shalt  }
0x69: {  	_ =	shalt  }
0x6a: {  	_ =	shalt  }
0x6b: {  	_ =	shalt  }
0x6c: {  	_ =	shalt  }
0x6d: {  	_ =	shalt  }
0x6e: {  	_ =	shalt  }
0x6f: {  	_ =	shalt  }
0x70: {  	_ =	shalt  }
0x71: {  	_ =	shalt  }
0x72: {  	_ =	shalt  }
0x73: {  	_ =	shalt  }
0x74: {  	_ =	shalt  }
0x75: {  	_ =	shalt  }
0x76: {  	_ =	shalt  }
0x77: {  	_ =	shalt  }
0x78: {  	_ =	shalt  }
0x79: {  	_ =	shalt  }
0x7a: {  	_ =	shalt  }
0x7b: {  	_ =	shalt  }
0x7c: {  	_ =	shalt  }
0x7d: {  	_ =	shalt  }
0x7e: {  	_ =	shalt  }
0x7f: {  	_ =	shalt  }
0x80: {  	_ =	shalt  }
0x81: {  	_ =	shalt  }
0x82: {  	_ =	shalt  }
0x83: {  	_ =	shalt  }
0x84: {  	_ =	shalt  }
0x85: {  	_ =	shalt  }
0x86: {  	_ =	shalt  }
0x87: {  	_ =	shalt  }
.Lfunc_end0:
.L_simem_size_0:
called_computation_lowered:
.L_overlay_start_0:
0x88: {  	s2 =	sld [smem:$0x3FD9]  }
0x89: {  	s3 =	sld [smem:$0x3FFE];
	_ =	sdelay $0x1  }
0x8a: {  	s1 =	srdreg.scid  }
0x8b: {  	s0 =	sand.u32 $0x1, s1  }
0x8c: {  	s18 =	sshll.u32 s0, $0xA;
	s2 =	sadd.s32 s3, s2  }
0x8d: {  	s2 =	sadd.s32 s2, s18  }
0x8e: {  	[smem:$0x3FC5] =	sst s2  }
0x8f: {  	_ = 	snop  }
0x90: {  	s2 =	sld [smem:$0x3FC9]  }
0x91: {  	s19 =	sld [smem:$0x3FC7]  }
0x92: {  	s4 =	sld [smem:$0x3FD0];
	(tm) =	ssettm $0x1  }
0x93: {  	s5 =	sld [smem:$0x3FFB];
	_ =	sdelay $0x3  }
0x94: {  	_ =	strace s5  }
0x95: {  	s5 =	sld [smem:$0x3FFC];
	_ =	sdelay $0x3  }
0x96: {  	_ =	strace s5  }
0x97: {  	s5 =	sld [smem:$0x3FFD];
	_ =	sdelay $0x3  }
0x98: {  	_ =	strace s5  }
0x99: {  	_ =	strace $0x8FFFFFFF  }
0x9a: {  	s20 =	sld [smem:$0x3FDB];
	_ =	sdelay $0x1  }
0x9b: {  	s6 =	simm.s32 $_scs_section_size  }
0x9c: {  	s7 =	simm.s32 $_size__tile_overlayer_lowered;
	s8 =	simm.s32 $_tile_overlayer_lowered  }
0x9d: {  	s23 =	simm.s32 $0x1BFF;
	s22 =	sshll.u32 s8, $0x1;
	s5 =	sadd.s32 s6, s20  }
0x9e: {  	s9 =	simm.s32 $0x0;
	s21 =	sshll.u32 s7, $0x1;
	s7 =	sadd.s32 s22, s5  }
0x9f: {  	[timem:s9], [sflag:s23] =	dma.local [hbm:s7], s21  }
0xa0: {  	_ =	swait.ge [sflag:s23], s21  }
0xa1: {  	s6 =	ssub.s32 $0x0, s21;
	[sflag:s23] =	ssyncset.done $0x0  }
0xa2: {  	[sflag:s23] =	ssyncadd.s32 s6;
	_ =	sdelay $0x1  }
0xa3: {  	s24 =	simm.s32 $0x1B8B  }
0xa4: {  	_ =	swait.ge [sflag:s24], $0x1  }
0xa5: {  	[sflag:s24] =	ssyncset.done $0x0  }
0xa6: {  	s25 =	simm.s32 $0x1B8E;
	[sflag:s24] =	ssyncadd.s32 $0xFFFFFFFF  }
0xa7: {  	s26 =	simm.s32 $execute0_lowered;
	[smem:$0x3FD2] =	sst s25  }
0xa8: {  	s6 =	sshll.u32 s26, $0x1;
	_ =	strace $0x80000046;
	[dreg:$0x1] =	wrdreg $0xFFFFFFFF  }
0xa9: {  	s28 =	simm.s32 $_size_execute0_lowered;
	s5 =	sadd.s32 s5, s6;
	[dreg:$0x0] =	wrdreg $0x0  }
0xaa: {  	s6 =	sshll.u32 s28, $0x1;
	[dreg:$0x2] =	wrdreg s5  }
0xab: {  	[dreg:$0x3] =	wrdreg s6  }
0xac: {  	[dreg:$0x4] =	wrdreg $0xC0  }
0xad: {  	_ =	task [dreg:s9], $0x5FFFF  }
0xae: {  	[dreg:$0x1] =	wrdreg $0xFFFFFFFF  }
0xaf: {  	[dreg:$0x0] =	wrdreg $0x60  }
0xb0: {  	[dreg:$0x2] =	wrdreg s2  }
0xb1: {  	[dreg:$0x3] =	wrdreg s19  }
0xb2: {  	[dreg:$0x4] =	wrdreg s4  }
0xb3: {  	[dreg:$0x5] =	wrdreg $0x9  }
0xb4: {  	_ =	task.clear_ibuf [dreg:s9], $0x6FFFF;
	_ =	strace $0x90000046  }
0xb5: {  	s29 =	simm.s32 $0x9;
	_ =	strace $0x80000048  }
0xb6: {  	_ =	swait.ge [sflag:s29], $0x1  }
0xb7: {  	[sflag:s29] =	ssyncadd.s32 $0xFFFFFFFF  }
0xb8: {  	_ =	strace $0x90000048  }
0xb9: {  	_ =	sfence  }
0xba: {  	s30 =	sld [smem:$0x0];
	_ =	sdelay $0x2  }
0xbb: {  	s31 =	sshll.u32 s1, $0xD;
	s1 =	sshrl.u32 s1, $0x2  }
0xbc: {  	s3 =	sand.u32 $0x4000, s31;
	s1 =	sadd.s32 s1, s30  }
0xbd: {  	s0 =	sor.u32 s3, s0;
	s1 =	sshll.u32 s1, $0x11  }
0xbe: {  	s0 =	sor.u32 s1, s0  }
0xbf: {  	s0 =	sadd.s32 $0x8F2B, s0  }
0xc0: {  	[sflag:s0] =	ssyncadd.remote.s32 $0x1  }
0xc1: {  	_ =	sfence.sel $0xFFFF  }
0xc2: {  	[dreg:$0x0] =	wrdreg $0xFFFFFFFF;
	(pc) =	sbr.abs _section_cstart, $3  }
0xc3: {  	[dreg:$0x1] =	wrdreg $0xFFFFFFFF  }
0xc4: {  	_ =	task.clear_ibuf [dreg:s9], $0x2FFFF;
	_ =	strace $0x9FFFFFFF  }
0xc5: {  	(tm) =	ssettm $0x7FFFFFFF  }
tec
execute0_lowered:
.L_overlay_start_1:
0x0: {  	(tag) =	ssettag $0x1  }
0x1: {  	s0 =	srdreg.scid  }
0x2: {  	s1 =	stileid.u32;
	s5 =	sand.u32 $0x1, s0  }
0x3: {  	s6 =	sor.u32 s1, s5  }
0x4: {  	p0 =	sne.s32 s6, $0x0  }
.Ltmp0:
0x5: {  	s10 =	rddreg [dreg:$0x0];
	(pc) =	sbr.rel @p0 .LBB2_3-.Ltmp0, $4  }
0x6: {  	s2 =	rddreg [dreg:$0x1]  }
0x7: {  	s3 =	rddreg [dreg:$0x2];
	s4 =	simm.s32 $0x0  }
0x8: {  	[smem:$0x7FF] =	sst s4  }
0x9: {  	s0 =	rddreg [dreg:$0x3];
	_ =	strace $0x80000047  }
0xa: {  	s5 =	ssub.s32 $0x2, s5;
	s7 =	sadd.s32 $0x30, s10  }
0xb: {  	s8 =	sadd.s32 $0x10, s3;
	s9 =	sadd.s32 $0x20, s3;
	s11 =	simm.s32 $0x80  }
0xc: {  	s12 =	simm.s32 $0x400;
	s13 =	simm.s32 $0x1;
	s14 =	simm.s32 $0x100  }
0xd: {  	s15 =	simm.s32 $0x200;
	s16 =	simm.s32 $0x300;
	s17 =	simm.s32 $0x380  }
0xe: {  	s18 =	simm.s32 $0x480;
	s19 =	simm.s32 $0x580;
	s6 =	sshrl.u32 s5, $0x1  }
0xf: {  	s5 =	ssub.s32 s5, s6;
	s6 =	sadd.s32 $0x20, s10;
	s10 =	sadd.s32 $0x10, s10  }
.LBB2_2:
0x10: {  	[tilespmem:s4], [sflag:$0x1] =	stream.strided.gather [hbm4b:s10+s11], $0x100, s12, s11, $0x38;
	[tilespmem:$0x680] =	vst v63  }
0x11: {  	_ =	swait.ge [sflag:s13], $0x100  }
0x12: {  	[sflag:s13] =	ssyncset.done $0x0  }
0x13: {  	[sflag:s13] =	ssyncadd.s32 $0xFFFFFF00  }
0x14: {  	[tilespmem:s14], [sflag:$0x1] =	stream.strided.gather [hbm4b:s6+s11], $0x100, s12, s11, $0x38;
	[tilespmem:$0x680] =	vst v63  }
0x15: {  	_ =	swait.ge [sflag:s13], $0x100  }
0x16: {  	[sflag:s13] =	ssyncset.done $0x0  }
0x17: {  	[sflag:s13] =	ssyncadd.s32 $0xFFFFFF00  }
0x18: {  	[tilespmem:s15], [sflag:$0x1] =	stream.strided.gather [hbm4b:s7+s11], $0x100, s12, s11, $0x38;
	[tilespmem:$0x680] =	vst v63  }
0x19: {  	_ =	swait.ge [sflag:s13], $0x100  }
0x1a: {  	[sflag:s13] =	ssyncset.done $0x0  }
0x1b: {  	[sflag:s13] =	ssyncadd.s32 $0xFFFFFF00  }
0x1c: {  	[tilespmem:s16], [sflag:$0x1] =	stream.linear.gather [hbm4b:s2+s4], $0x15, $0x38;
	[tilespmem:$0x680] =	vst v63  }
0x1d: {  	_ =	swait.ge [sflag:s13], $0x15  }
0x1e: {  	[sflag:s13] =	ssyncset.done $0x0  }
0x1f: {  	[sflag:s13] =	ssyncadd.s32 $0xFFFFFFEB  }
0x20: {  	v0 =	vld [tilespmem:$0x310]  }
0x21: {  	v1 =	vld [tilespmem:$0x200]  }
0x22: {  	v2 =	vld [tilespmem:$0x0]  }
0x23: {  	v3 =	vld [tilespmem:$0x100]  }
0x24: {  	v4 =	vld [tilespmem:$0x210]  }
0x25: {  	v5 =	vld [tilespmem:$0x10]  }
0x26: {  	v6 =	vld [tilespmem:$0x110]  }
0x27: {  	v7 =	vld [tilespmem:$0x220]  }
0x28: {  	v8 =	vld [tilespmem:$0x20]  }
0x29: {  	v9 =	vld [tilespmem:$0x120]  }
0x2a: {  	v10 =	vld [tilespmem:$0x230]  }
0x2b: {  	v11 =	vld [tilespmem:$0x30]  }
0x2c: {  	v12 =	vld [tilespmem:$0x130]  }
0x2d: {  	v13 =	vld [tilespmem:$0x240]  }
0x2e: {  	v14 =	vld [tilespmem:$0x40]  }
0x2f: {  	v15 =	vld [tilespmem:$0x140]  }
0x30: {  	v16 =	vld [tilespmem:$0x250]  }
0x31: {  	v62 =	vld [tilespmem:$0x50];
	v1 =	vadd.f32 v2, v1  }
0x32: {  	v17 =	vld [tilespmem:$0x150];
	v61 =	vadd.f32 v3, v3;
	v4 =	vadd.f32 v5, v4  }
0x33: {  	v63 =	vld [tilespmem:$0x260];
	v19 =	vadd.f32 v6, v6;
	v7 =	vadd.f32 v8, v7  }
0x34: {  	v20 =	vld [tilespmem:$0x60];
	v21 =	vadd.f32 v9, v9;
	v10 =	vadd.f32 v11, v10  }
0x35: {  	v22 =	vld [tilespmem:$0x160];
	v23 =	vadd.f32 v12, v12;
	v13 =	vadd.f32 v14, v13  }
0x36: {  	v31 =	vld [tilespmem:$0x280];
	v25 =	vadd.f32 v15, v15;
	v1 =	vadd.f32 v61, v1  }
0x37: {  	v33 =	vld [tilespmem:$0x80];
	v3 =	vadd.f32 v62, v16;
	v4 =	vadd.f32 v19, v4  }
0x38: {  	v35 =	vld [tilespmem:$0x180];
	v32 =	vadd.f32 v17, v17;
	v27 =	vadd.f32 v21, v7;
	[tilespmem:$0x580] =	vst v1  }
0x39: {  	v2 =	vadd.f32 v20, v63;
	v29 =	vadd.f32 v23, v10;
	[tilespmem:$0x590] =	vst v4  }
0x3a: {  	v34 =	vadd.f32 v22, v22;
	v30 =	vadd.f32 v25, v13;
	[tilespmem:$0x5A0] =	vst v27  }
0x3b: {  	v18 =	vbroadcast v0, $0x3;
	v37 =	vbroadcast v0, $0x1;
	v36 =	vadd.f32 v32, v3;
	[tilespmem:$0x5B0] =	vst v29  }
0x3c: {  	v2 =	vadd.f32 v34, v2;
	[tilespmem:$0x5C0] =	vst v30  }
0x3d: {  	v24 =	vld [tilespmem:$0x270];
	v42 =	vadd.f32 v33, v31;
	v6 =	vadd.f32 v35, v35;
	v3 =	vmul.f32 v37, v18;
	[tilespmem:$0x5D0] =	vst v36  }
0x3e: {  	v26 =	vld [tilespmem:$0x70];
	[tilespmem:$0x5E0] =	vst v2  }
0x3f: {  	v28 =	vld [tilespmem:$0x170];
	v5 =	vadd.f32 v6, v42;
	[tilespmem:$0x380] =	vst v3  }
0x40: {  	v41 =	vld [tilespmem:$0x290];
	[tilespmem:$0x390] =	vst v3  }
0x41: {  	v43 =	vld [tilespmem:$0x90];
	[tilespmem:$0x600] =	vst v5  }
0x42: {  	v44 =	vld [tilespmem:$0x190];
	[tilespmem:$0x3A0] =	vst v3  }
0x43: {  	v45 =	vld [tilespmem:$0x2A0];
	[tilespmem:$0x3B0] =	vst v3  }
0x44: {  	v48 =	vld [tilespmem:$0x2B0];
	[tilespmem:$0x3C0] =	vst v3  }
0x45: {  	v49 =	vld [tilespmem:$0xB0];
	[tilespmem:$0x3D0] =	vst v3  }
0x46: {  	v46 =	vld [tilespmem:$0xA0];
	[tilespmem:$0x3E0] =	vst v3  }
0x47: {  	v47 =	vld [tilespmem:$0x1A0];
	[tilespmem:$0x3F0] =	vst v3  }
0x48: {  	v50 =	vld [tilespmem:$0x1B0];
	v39 =	vadd.f32 v26, v24;
	v40 =	vadd.f32 v28, v28;
	[tilespmem:$0x400] =	vst v3  }
0x49: {  	v54 =	vld [tilespmem:$0x2D0];
	(erf) = vrcp.f32 v18;
	[tilespmem:$0x410] =	vst v3  }
0x4a: {  	v55 =	vld [tilespmem:$0xD0];
	v6 =	vadd.f32 v49, v48;
	v1 =	vadd.f32 v40, v39;
	[tilespmem:$0x420] =	vst v3  }
0x4b: {  	v56 =	vld [tilespmem:$0x1D0];
	v4 =	vadd.f32 v43, v41;
	v2 =	vadd.f32 v44, v44;
	[tilespmem:$0x430] =	vst v3  }
0x4c: {  	v5 =	vadd.f32 v47, v47;
	[tilespmem:$0x5F0] =	vst v1;
	v1 =	vadd.f32 v46, v45  }
0x4d: {  	[tilespmem:$0x440] =	vst v3;
	v2 =	vadd.f32 v2, v4;
	v4 =	vadd.f32 v50, v50  }
0x4e: {  	[tilespmem:$0x450] =	vst v3  }
0x4f: {  	[tilespmem:$0x460] =	vst v3;
	v1 =	vadd.f32 v5, v1;
	v4 =	vadd.f32 v4, v6  }
0x50: {  	[tilespmem:$0x470] =	vst v3;
	v5 =	vadd.f32 v55, v54;
	v6 =	vadd.f32 v56, v56  }
0x51: {  	v0 =	vbroadcast v0, $0x2;
	[tilespmem:$0x610] =	vst v2  }
0x52: {  	v51 =	vld [tilespmem:$0x2C0];
	[tilespmem:$0x620] =	vst v1;
	v60 =	vadd.f32 v6, v5;
	v38 =	vpop (erf)  }
0x53: {  	v52 =	vld [tilespmem:$0xC0];
	[tilespmem:$0x630] =	vst v4;
	v0 =	vmul.f32 v38, v0  }
0x54: {  	v53 =	vld [tilespmem:$0x1C0];
	[tilespmem:$0x650] =	vst v60  }
0x55: {  	[tilespmem:$0x480] =	vst v0  }
0x56: {  	[tilespmem:$0x490] =	vst v0  }
0x57: {  	[tilespmem:$0x4A0] =	vst v0  }
0x58: {  	v57 =	vld [tilespmem:$0x2E0];
	[tilespmem:$0x4B0] =	vst v0  }
0x59: {  	v58 =	vld [tilespmem:$0xE0];
	v2 =	vadd.f32 v52, v51;
	v1 =	vadd.f32 v53, v53;
	[tilespmem:$0x4C0] =	vst v0  }
0x5a: {  	v59 =	vld [tilespmem:$0x1E0];
	[tilespmem:$0x4D0] =	vst v0  }
0x5b: {  	v1 =	vadd.f32 v1, v2;
	[tilespmem:$0x4E0] =	vst v0  }
0x5c: {  	v62 =	vld [tilespmem:$0xF0];
	[tilespmem:$0x4F0] =	vst v0  }
0x5d: {  	v63 =	vld [tilespmem:$0x1F0];
	[tilespmem:$0x640] =	vst v1  }
0x5e: {  	v61 =	vld [tilespmem:$0x2F0];
	[tilespmem:$0x500] =	vst v0  }
0x5f: {  	v2 =	vadd.f32 v58, v57;
	[tilespmem:$0x510] =	vst v0;
	v1 =	vadd.f32 v59, v59  }
0x60: {  	[tilespmem:$0x520] =	vst v0  }
0x61: {  	[tilespmem:$0x530] =	vst v0;
	v1 =	vadd.f32 v1, v2  }
0x62: {  	[tilespmem:$0x540] =	vst v0  }
0x63: {  	v2 =	vadd.f32 v62, v61;
	[tilespmem:$0x660] =	vst v1;
	v1 =	vadd.f32 v63, v63  }
0x64: {  	[tilespmem:$0x550] =	vst v0  }
0x65: {  	[tilespmem:$0x560] =	vst v0;
	v1 =	vadd.f32 v1, v2  }
0x66: {  	[tilespmem:$0x570] =	vst v0  }
0x67: {  	[tilespmem:$0x670] =	vst v1  }
0x68: {  	[hbm4b:s3+s11] =	stream.strided.scatter [tilespmem:s17], [sflag:$0x1], $0x100, s12, s11, $0x38;
	[tilespmem:$0x680] =	vst v63  }
0x69: {  	_ =	swait.ge [sflag:s13], $0x100  }
0x6a: {  	[sflag:s13] =	ssyncset.done $0x0  }
0x6b: {  	[sflag:s13] =	ssyncadd.s32 $0xFFFFFF00  }
0x6c: {  	[hbm4b:s8+s11] =	stream.strided.scatter [tilespmem:s18], [sflag:$0x1], $0x100, s12, s11, $0x38;
	[tilespmem:$0x680] =	vst v63  }
0x6d: {  	_ =	swait.ge [sflag:s13], $0x100  }
0x6e: {  	p0 =	sne.s32 s5, $0x1;
	[sflag:s13] =	ssyncset.done $0x0  }
.Ltmp1:
0x6f: {  	[sflag:s13] =	ssyncadd.s32 $0xFFFFFF00;
	(pc) =	sbr.rel @p0 .LBB2_2-.Ltmp1, $4  }
0x70: {  	[hbm4b:s9+s11] =	stream.strided.scatter [tilespmem:s19], [sflag:$0x1], $0x100, s12, s11, $0x38;
	[tilespmem:$0x680] =	vst v63  }
0x71: {  	_ =	swait.ge [sflag:s13], $0x100  }
0x72: {  	[sflag:s13] =	ssyncset.done $0x0  }
0x73: {  	s5 =	sadd.s32 $0xFFFFFFFF, s5;
	[sflag:s13] =	ssyncadd.s32 $0xFFFFFF00  }
.LBB2_3:
0x74: {  	_ =	sfence.sel $0x180000  }
0x75: {  	[bflag:$0x0] =	sbarrier.arrive $0xFFFF  }
0x76: {  	p0 =	sne.s32 s1, $0x0;
	_ =	strace $0x90000047  }
0x77: {  	s0 =	sadd.s32 @!p0 $0x100000, s0;
	[bflag:$0x2] =	sbarrier.arrive $0xFFFF  }
0x78: {  	[sflag:s0] =	ssyncadd.tile.s32 @!p0 $0x1;
	_ =	shalt  }
.Lfunc_end2:
_tile_overlayer_lowered:
.L_overlay_start_2:
0x79: {  	(tag) =	ssettag $0x2  }
0x7a: {  	s0 =	rddreg [dreg:$0x0];
	s2 =	stileid.u32  }
0x7b: {  	s1 =	rddreg [dreg:$0x1];
	p0 =	sne.s32 s2, $0x0  }
0x7c: {  	s3 =	rddreg [dreg:$0x2];
	[bflag:$0x3] =	sbarrier.arrive $0xFFFF;
	s2 =	simm.s32 @!p0 $0x1C01  }
0x7d: {  	[timem:s3], [sflag:s2] =	dma.local @!p0 [hbm:s0], s1  }
0x7e: {  	s0 =	simm.s32 @!p0 $0x1  }
0x7f: {  	_ =	swait.ge @!p0 [sflag:s0], s1  }
0x80: {  	s1 =	ssub.s32 @!p0 $0x0, s1;
	[sflag:s0] =	ssyncset.done @!p0 $0x0  }
0x81: {  	[sflag:s0] =	ssyncadd.s32 @!p0 s1  }
0x82: {  	[bflag:$0x3] =	sbarrier.arrive $0xFFFF  }
0x83: {  	_ =	shalt  }

</sc_bundles>
